<compile_context>
chip_gen: v7x
topology: tpu7x:2x2x1
jax: 0.10.2.dev20260603
libtpu: 0.0.44.dev20260713+nightly
codegen_flags: <defaults>
</compile_context>

<pallas_src>
import functools

import jax
import jax.numpy as jnp
from jax import lax
from jax.experimental import pallas as pl
from jax.experimental.pallas import tpu as pltpu
from jax.experimental.pallas import tpu_sc as plsc

_N0, _N1, _N2, _N3 = 32768, 4096, 1024, 64
_CF = 128
_NCLS = 20
_BATCH = 128
_D = _CF * _N3
_BB = 32
_NB = _BATCH // _BB

_NWORK = 32
_CH0 = _N0 // _NWORK
_CH1 = _N1 // _NWORK
_LANES = 16


def _sc_routing_body(p0_hbm, p1_hbm, p2_hbm, routed_hbm,
                     p1_v, p2_v, p0_v, out_v, p1c_v, out2_v,
                     sem1, sem2, sem3, sem4):
    wid = lax.axis_index("s") * 2 + lax.axis_index("c")
    base = wid * _CH0
    base2 = wid * _CH1
    c1 = pltpu.async_copy(p1_hbm, p1_v, sem1)
    c2 = pltpu.async_copy(p2_hbm, p2_v, sem2)
    c3 = pltpu.async_copy(p0_hbm.at[pl.ds(base, _CH0)], p0_v, sem3)
    c4 = pltpu.async_copy(p1_hbm.at[pl.ds(base2, _CH1)], p1c_v, sem4)
    c1.wait()
    c2.wait()
    c3.wait()
    for i in range(_CH0 // _LANES):
        idx = p0_v[pl.ds(i * _LANES, _LANES)]
        mid = plsc.load_gather(p1_v, [idx])
        out_v[pl.ds(i * _LANES, _LANES)] = plsc.load_gather(p2_v, [mid])
    co = pltpu.async_copy(out_v, routed_hbm.at[pl.ds(base, _CH0)], sem3)
    c4.wait()
    for i in range(_CH1 // _LANES):
        idx = p1c_v[pl.ds(i * _LANES, _LANES)]
        out2_v[pl.ds(i * _LANES, _LANES)] = plsc.load_gather(p2_v, [idx])
    co2 = pltpu.async_copy(out2_v, routed_hbm.at[pl.ds(_N0 + base2, _CH1)],
                           sem4)
    co.wait()
    co2.wait()


@functools.cache
def _sc_routing():
    return pl.kernel(
        _sc_routing_body,
        mesh=plsc.VectorSubcoreMesh(core_axis_name="c", subcore_axis_name="s"),
        out_type=jax.ShapeDtypeStruct((_N0 + _N1,), jnp.int32),
        scratch_types=[
            pltpu.VMEM((_N1,), jnp.int32),
            pltpu.VMEM((_N2,), jnp.int32),
            pltpu.VMEM((_CH0,), jnp.int32),
            pltpu.VMEM((_CH0,), jnp.int32),
            pltpu.VMEM((_CH1,), jnp.int32),
            pltpu.VMEM((_CH1,), jnp.int32),
            pltpu.SemaphoreType.DMA,
            pltpu.SemaphoreType.DMA,
            pltpu.SemaphoreType.DMA,
            pltpu.SemaphoreType.DMA,
        ],
        compiler_params=pltpu.CompilerParams(needs_layout_passes=False),
    )


def _eye(n, dtype=jnp.float32):
    return (lax.broadcasted_iota(jnp.int32, (n, n), 0) ==
            lax.broadcasted_iota(jnp.int32, (n, n), 1)).astype(dtype)


def _colT(row_mat, n):
    return lax.dot_general(_eye(n), row_mat, (((1,), (1,)), ((), ())),
                           preferred_element_type=jnp.float32)


def _tc_body(x_ref, routed_ref, p2_ref,
             V0_ref, g0_ref, b0_ref, V1_ref, g1_ref, b1_ref,
             V2_ref, g2_ref, b2_ref, Vf_ref, gf_ref, bf_ref,
             out_ref, oh_s, s_full):
    pid = pl.program_id(0)
    f32 = jnp.float32
    bf16 = jnp.bfloat16

    @pl.when(pid == 0)
    def _build_onehot():
        rm = routed_ref[pl.ds(0, _N0)].reshape(1, _N0)
        oh_s[...] = (rm == lax.broadcasted_iota(jnp.int32, (_N3, _N0), 0)
                     ).astype(bf16)

    xv = x_ref[...]
    hi = xv.astype(bf16)
    lo = (xv - hi.astype(f32)).astype(bf16)
    oh = oh_s[...]
    sblk = (lax.dot_general(hi, oh, (((1,), (1,)), ((), ())),
                            preferred_element_type=f32) +
            lax.dot_general(lo, oh, (((1,), (1,)), ((), ())),
                            preferred_element_type=f32))
    s_full[pl.ds(pid * _BB, _BB), :] = sblk

    @pl.when(pid == _NB - 1)
    def _tail():
        def wn(V, g1d):
            g_col = _colT(g1d.reshape(1, -1), g1d.shape[0])
            nrm = jnp.sqrt(jnp.sum(V * V, axis=1, keepdims=True))
            return g_col * V / (nrm + 1e-12)

        W0 = wn(V0_ref[...], g0_ref[...])
        W1 = wn(V1_ref[...], g1_ref[...])
        W2 = wn(V2_ref[...], g2_ref[...])
        Wfn = wn(Vf_ref[...], gf_ref[...])

        b0c = _colT(b0_ref[...].reshape(1, 32), 32)
        b1c = _colT(b1_ref[...].reshape(1, 64), 64)
        b2c = _colT(b2_ref[...].reshape(1, 128), 128)

        A = jnp.dot(W2, jnp.dot(W1, W0, preferred_element_type=f32),
                    preferred_element_type=f32)
        u = jnp.dot(W2, jnp.dot(W1, b0c, preferred_element_type=f32),
                    preferred_element_type=f32)
        v = jnp.dot(W2, b1c, preferred_element_type=f32)

        auvb = jnp.concatenate([A, u, v, b2c], axis=1)
        auvb_t = lax.dot_general(auvb, _eye(128), (((0,), (0,)), ((), ())),
                                 preferred_element_type=f32)

        RmT = (lax.broadcasted_iota(jnp.int32, (_CF, _D), 0) ==
               lax.broadcasted_iota(jnp.int32, (_CF, _D), 1) // _N3
               ).astype(f32)
        TmT = (lax.broadcasted_iota(jnp.int32, (_N3, _D), 0) ==
               lax.broadcasted_iota(jnp.int32, (_N3, _D), 1) % _N3
               ).astype(f32)
        rep4 = jnp.dot(auvb_t, RmT, preferred_element_type=f32)

        B = lax.dot_general(Wfn * rep4[0:1, :], TmT,
                            (((1,), (1,)), ((), ())),
                            preferred_element_type=f32)

        ohp = (routed_ref[pl.ds(_N0, _N1)].reshape(1, _N1) ==
               lax.broadcasted_iota(jnp.int32, (_N3, _N1), 0)).astype(f32)
        s2c = jnp.sum(ohp, axis=1, keepdims=True)
        ohq = (p2_ref[...].reshape(1, _N2) ==
               lax.broadcasted_iota(jnp.int32, (_N3, _N2), 0)).astype(f32)
        c2c = jnp.sum(ohq, axis=1, keepdims=True)
        s2row = lax.dot_general(s2c, _eye(_N3), (((0,), (0,)), ((), ())),
                                preferred_element_type=f32)
        c2row = lax.dot_general(c2c, _eye(_N3), (((0,), (0,)), ((), ())),
                                preferred_element_type=f32)
        s2tile = jnp.dot(s2row, TmT, preferred_element_type=f32)
        c2tile = jnp.dot(c2row, TmT, preferred_element_type=f32)

        vecb = (rep4[1:2, :] * s2tile + rep4[2:3, :] * c2tile +
                rep4[3:4, :])
        crow = lax.dot_general(vecb, Wfn, (((1,), (1,)), ((), ())),
                               preferred_element_type=f32)

        logits = lax.dot_general(s_full[...], B, (((1,), (1,)), ((), ())),
                                 preferred_element_type=f32)
        out_ref[...] = logits + crow + bf_ref[...].reshape(1, _NCLS)


_whole = lambda shape: pl.BlockSpec(shape, lambda i: (0,) * len(shape))

_TC_IN_SPECS = [
    pl.BlockSpec((_BB, _N0), lambda i: (i, 0)),
    _whole((_N0 + _N1,)),
    _whole((_N2,)),
    _whole((32, 1)), _whole((32,)), _whole((32,)),
    _whole((64, 32)), _whole((64,)), _whole((64,)),
    _whole((128, 64)), _whole((128,)), _whole((128,)),
    _whole((_NCLS, _D)), _whole((_NCLS,)),
    _whole((_NCLS,)),
]

_tc_call = pl.pallas_call(
    _tc_body,
    grid=(_NB,),
    in_specs=_TC_IN_SPECS,
    out_specs=_whole((_BATCH, _NCLS)),
    out_shape=jax.ShapeDtypeStruct((_BATCH, _NCLS), jnp.float32),
    scratch_shapes=[
        pltpu.VMEM((_N3, _N0), jnp.bfloat16),
        pltpu.VMEM((_BATCH, _N3), jnp.float32),
    ],
    compiler_params=pltpu.CompilerParams(
        dimension_semantics=("arbitrary",)),
)


def kernel(study_vec, x, parent0, parent1, parent2,
           V0, g0, b0, V1, g1, b1, V2, g2, b2, Vf, gf, bf):
    p0 = parent0.astype(jnp.int32)
    p1 = parent1.astype(jnp.int32)
    p2 = parent2.astype(jnp.int32)
    routed = _sc_routing()(p0, p1, p2)
    return _tc_call(x, routed, p2,
                    V0, g0, b0, V1, g1, b1, V2, g2, b2, Vf, gf, bf)

# --- scband reference (transcript-rebuilt; emitter-appended) ---
"""Pipeline reference for scband-small-classifier-1443109012171 (READ-ONLY COPY).

The authoritative reference and input builder live on the scoring server;
editing this copy changes nothing except your own understanding.
"""

import jax, jax.numpy as jnp
import numpy as np

NODE_SIZES = [32768, 4096, 1024, 64]
CHANNELS = [1, 32, 64, 128]
N_CLASSES = 20
BATCH = 128


def _wn(V, g):
    # weight_norm: W = g * V / ||V||_row
    return g[:, None] * V / (jnp.linalg.norm(V, axis=1, keepdims=True) + 1e-12)


def setup_inputs(seed: int = 0) -> dict:
    key = jax.random.key(seed)
    ks = jax.random.split(key, 16)
    inp = {}
    inp['study_vec'] = jnp.zeros((BATCH,), dtype=jnp.int64)
    inp['x'] = jax.random.normal(ks[0], (BATCH, NODE_SIZES[0]), dtype=jnp.float32)
    # tree adjacency: child -> parent index per layer
    inp['parent0'] = jax.random.randint(ks[1], (NODE_SIZES[0],), 0, NODE_SIZES[1], dtype=jnp.int64)
    inp['parent1'] = jax.random.randint(ks[2], (NODE_SIZES[1],), 0, NODE_SIZES[2], dtype=jnp.int64)
    inp['parent2'] = jax.random.randint(ks[3], (NODE_SIZES[2],), 0, NODE_SIZES[3], dtype=jnp.int64)
    # weight-normed FGL channel-mixing params (V: [C_out, C_in], g: [C_out], b: [C_out])
    for i in range(3):
        ci, co = CHANNELS[i], CHANNELS[i + 1]
        inp[f'V{i}'] = jax.random.normal(ks[4 + 3 * i], (co, ci), dtype=jnp.float32) * (1.0 / np.sqrt(ci))
        inp[f'g{i}'] = jnp.ones((co,), dtype=jnp.float32)
        inp[f'b{i}'] = jnp.zeros((co,), dtype=jnp.float32)
    d_flat = NODE_SIZES[-1] * CHANNELS[-1]
    inp['Vf'] = jax.random.normal(ks[13], (N_CLASSES, d_flat), dtype=jnp.float32) * (1.0 / np.sqrt(d_flat))
    inp['gf'] = jnp.ones((N_CLASSES,), dtype=jnp.float32)
    inp['bf'] = jnp.zeros((N_CLASSES,), dtype=jnp.float32)
    return inp


def _fgl(cur, parent, n_out, V, g, b):
    # cur: [N, C_in, n_in]; scatter-add children into parents, then channel mix
    N, C, _ = cur.shape
    agg = jnp.zeros((N, C, n_out), dtype=cur.dtype).at[:, :, parent].add(cur)
    W = _wn(V, g)  # [C_out, C_in]
    return jnp.einsum('nim,oi->nom', agg, W) + b[None, :, None]


def reference(study_vec, x, parent0, parent1, parent2, V0, g0, b0, V1, g1, b1, V2, g2, b2, Vf, gf, bf):
    N = x.shape[0]
    cur = x[:, None, :]  # [N, 1, F]
    cur = _fgl(cur, parent0, NODE_SIZES[1], V0, g0, b0)
    cur = _fgl(cur, parent1, NODE_SIZES[2], V1, g1, b1)
    cur = _fgl(cur, parent2, NODE_SIZES[3], V2, g2, b2)  # dropout is identity at eval
    flat = cur.reshape(N, -1)
    Wf = _wn(Vf, gf)
    logits = flat @ Wf.T + bf
    return logits

if __name__ == "__main__":
    import jax
    _d = setup_inputs()
    print(jax.jit(kernel)(*tuple(_d.values())))

</pallas_src>

<mosaic_0001>
#map = affine_map<(d0, d1) -> (0)>
module attributes {stable_mosaic.version = 14 : i64} {
  func.func @_sc_routing_body(%arg0: i32, %arg1: i32, %arg2: memref<32768xi32, #tpu.memory_space<hbm>>, %arg3: memref<4096xi32, #tpu.memory_space<hbm>>, %arg4: memref<1024xi32, #tpu.memory_space<hbm>>, %arg5: memref<36864xi32, #tpu.memory_space<hbm>>, %arg6: memref<4096xi32, #tpu.memory_space<vmem>>, %arg7: memref<1024xi32, #tpu.memory_space<vmem>>, %arg8: memref<1024xi32, #tpu.memory_space<vmem>>, %arg9: memref<1024xi32, #tpu.memory_space<vmem>>, %arg10: memref<128xi32, #tpu.memory_space<vmem>>, %arg11: memref<128xi32, #tpu.memory_space<vmem>>, %arg12: memref<!tpu.dma_semaphore, #tpu.memory_space<semaphore_mem>>, %arg13: memref<!tpu.dma_semaphore, #tpu.memory_space<semaphore_mem>>, %arg14: memref<!tpu.dma_semaphore, #tpu.memory_space<semaphore_mem>>, %arg15: memref<!tpu.dma_semaphore, #tpu.memory_space<semaphore_mem>>) attributes {dimension_semantics = [#tpu.dimension_semantics<core_parallel>, #tpu.dimension_semantics<subcore_parallel>], iteration_bounds = array<i64: 2, 16>, scalar_prefetch = 0 : i64, scratch_operands = 10 : i64, tpu.core_type = #tpu.core_type<sc_vector_subcore>, window_params = [{transform_indices = #map}, {transform_indices = #map}, {transform_indices = #map}, {transform_indices = #map}]} {
    %mul3A = arith.constant 2 : i32
    %mul3A_0 = arith.muli %arg1, %mul3A : i32
    %add3A = arith.addi %mul3A_0, %arg0 : i32
    %mul3A_1 = arith.constant 1024 : i32
    %mul3A_2 = arith.muli %add3A, %mul3A_1 : i32
    %mul3A_3 = arith.constant 128 : i32
    %mul3A_4 = arith.muli %add3A, %mul3A_3 : i32
    tpu.enqueue_dma source(%arg3 : memref<4096xi32, #tpu.memory_space<hbm>>) target(%arg6 : memref<4096xi32, #tpu.memory_space<vmem>>) target_semaphore(%arg12 : memref<!tpu.dma_semaphore, #tpu.memory_space<semaphore_mem>>)
    tpu.enqueue_dma source(%arg4 : memref<1024xi32, #tpu.memory_space<hbm>>) target(%arg7 : memref<1024xi32, #tpu.memory_space<vmem>>) target_semaphore(%arg13 : memref<!tpu.dma_semaphore, #tpu.memory_space<semaphore_mem>>)
    %dma_start3A = tpu.memref_slice %arg2[%mul3A_2] : memref<32768xi32, #tpu.memory_space<hbm>> -> memref<1024xi32, #tpu.memory_space<hbm>>
    %dma_start3A_5 = tpu.memref_slice %arg2[%mul3A_2] : memref<32768xi32, #tpu.memory_space<hbm>> -> memref<1024xi32, #tpu.memory_space<hbm>>
    tpu.enqueue_dma source(%dma_start3A_5 : memref<1024xi32, #tpu.memory_space<hbm>>) target(%arg8 : memref<1024xi32, #tpu.memory_space<vmem>>) target_semaphore(%arg14 : memref<!tpu.dma_semaphore, #tpu.memory_space<semaphore_mem>>)
    %dma_start3A_6 = tpu.memref_slice %arg3[%mul3A_4] : memref<4096xi32, #tpu.memory_space<hbm>> -> memref<128xi32, #tpu.memory_space<hbm>>
    %dma_start3A_7 = tpu.memref_slice %arg3[%mul3A_4] : memref<4096xi32, #tpu.memory_space<hbm>> -> memref<128xi32, #tpu.memory_space<hbm>>
    tpu.enqueue_dma source(%dma_start3A_7 : memref<128xi32, #tpu.memory_space<hbm>>) target(%arg10 : memref<128xi32, #tpu.memory_space<vmem>>) target_semaphore(%arg15 : memref<!tpu.dma_semaphore, #tpu.memory_space<semaphore_mem>>)
    tpu.wait_dma2 semaphore(%arg12 : memref<!tpu.dma_semaphore, #tpu.memory_space<semaphore_mem>>) src(%arg3 : memref<4096xi32, #tpu.memory_space<hbm>>) dst(%arg6 : memref<4096xi32, #tpu.memory_space<vmem>>)
    tpu.wait_dma2 semaphore(%arg13 : memref<!tpu.dma_semaphore, #tpu.memory_space<semaphore_mem>>) src(%arg4 : memref<1024xi32, #tpu.memory_space<hbm>>) dst(%arg7 : memref<1024xi32, #tpu.memory_space<vmem>>)
    %dma_wait3A = tpu.memref_slice %arg2[%mul3A_2] : memref<32768xi32, #tpu.memory_space<hbm>> -> memref<1024xi32, #tpu.memory_space<hbm>>
    %dma_wait3A_8 = tpu.memref_slice %arg2[%mul3A_2] : memref<32768xi32, #tpu.memory_space<hbm>> -> memref<1024xi32, #tpu.memory_space<hbm>>
    tpu.wait_dma2 semaphore(%arg14 : memref<!tpu.dma_semaphore, #tpu.memory_space<semaphore_mem>>) src(%dma_wait3A_8 : memref<1024xi32, #tpu.memory_space<hbm>>) dst(%arg8 : memref<1024xi32, #tpu.memory_space<vmem>>)
    %get3A = arith.constant 0 : index
    %get3A_9 = tpu.vector_load %arg8[%get3A] {strides = array<i32>} : memref<1024xi32, #tpu.memory_space<vmem>>, vector<16xi32>,
    %gather3A = tpu.vector_load_idx %arg6[%get3A_9] : memref<4096xi32, #tpu.memory_space<vmem>>[vector<16xi32>], vector<16xi32>,
    %gather3A_10 = tpu.vector_load_idx %arg7[%gather3A] : memref<1024xi32, #tpu.memory_space<vmem>>[vector<16xi32>], vector<16xi32>,
    %swap3A = arith.constant 0 : index
    %swap3A_11 = tpu.vector_load %arg9[%swap3A] {strides = array<i32>} : memref<1024xi32, #tpu.memory_space<vmem>>, vector<16xi32>,
    tpu.vector_store %arg9[%swap3A], %gather3A_10 {strides = array<i32>} : memref<1024xi32, #tpu.memory_space<vmem>>, vector<16xi32>,
    %get3A_12 = arith.constant 16 : index
    %get3A_13 = tpu.vector_load %arg8[%get3A_12] {strides = array<i32>} : memref<1024xi32, #tpu.memory_space<vmem>>, vector<16xi32>,
    %gather3A_14 = tpu.vector_load_idx %arg6[%get3A_13] : memref<4096xi32, #tpu.memory_space<vmem>>[vector<16xi32>], vector<16xi32>,
    %gather3A_15 = tpu.vector_load_idx %arg7[%gather3A_14] : memref<1024xi32, #tpu.memory_space<vmem>>[vector<16xi32>], vector<16xi32>,
    %swap3A_16 = arith.constant 16 : index
    %swap3A_17 = tpu.vector_load %arg9[%swap3A_16] {strides = array<i32>} : memref<1024xi32, #tpu.memory_space<vmem>>, vector<16xi32>,
    tpu.vector_store %arg9[%swap3A_16], %gather3A_15 {strides = array<i32>} : memref<1024xi32, #tpu.memory_space<vmem>>, vector<16xi32>,
    %get3A_18 = arith.constant 32 : index
    %get3A_19 = tpu.vector_load %arg8[%get3A_18] {strides = array<i32>} : memref<1024xi32, #tpu.memory_space<vmem>>, vector<16xi32>,
    %gather3A_20 = tpu.vector_load_idx %arg6[%get3A_19] : memref<4096xi32, #tpu.memory_space<vmem>>[vector<16xi32>], vector<16xi32>,
    %gather3A_21 = tpu.vector_load_idx %arg7[%gather3A_20] : memref<1024xi32, #tpu.memory_space<vmem>>[vector<16xi32>], vector<16xi32>,
    %swap3A_22 = arith.constant 32 : index
    %swap3A_23 = tpu.vector_load %arg9[%swap3A_22] {strides = array<i32>} : memref<1024xi32, #tpu.memory_space<vmem>>, vector<16xi32>,
    tpu.vector_store %arg9[%swap3A_22], %gather3A_21 {strides = array<i32>} : memref<1024xi32, #tpu.memory_space<vmem>>, vector<16xi32>,
    %get3A_24 = arith.constant 48 : index
    %get3A_25 = tpu.vector_load %arg8[%get3A_24] {strides = array<i32>} : memref<1024xi32, #tpu.memory_space<vmem>>, vector<16xi32>,
    %gather3A_26 = tpu.vector_load_idx %arg6[%get3A_25] : memref<4096xi32, #tpu.memory_space<vmem>>[vector<16xi32>], vector<16xi32>,
    %gather3A_27 = tpu.vector_load_idx %arg7[%gather3A_26] : memref<1024xi32, #tpu.memory_space<vmem>>[vector<16xi32>], vector<16xi32>,
    %swap3A_28 = arith.constant 48 : index
    %swap3A_29 = tpu.vector_load %arg9[%swap3A_28] {strides = array<i32>} : memref<1024xi32, #tpu.memory_space<vmem>>, vector<16xi32>,
    tpu.vector_store %arg9[%swap3A_28], %gather3A_27 {strides = array<i32>} : memref<1024xi32, #tpu.memory_space<vmem>>, vector<16xi32>,
    %get3A_30 = arith.constant 64 : index
    %get3A_31 = tpu.vector_load %arg8[%get3A_30] {strides = array<i32>} : memref<1024xi32, #tpu.memory_space<vmem>>, vector<16xi32>,
    %gather3A_32 = tpu.vector_load_idx %arg6[%get3A_31] : memref<4096xi32, #tpu.memory_space<vmem>>[vector<16xi32>], vector<16xi32>,
    %gather3A_33 = tpu.vector_load_idx %arg7[%gather3A_32] : memref<1024xi32, #tpu.memory_space<vmem>>[vector<16xi32>], vector<16xi32>,
    %swap3A_34 = arith.constant 64 : index
    %swap3A_35 = tpu.vector_load %arg9[%swap3A_34] {strides = array<i32>} : memref<1024xi32, #tpu.memory_space<vmem>>, vector<16xi32>,
    tpu.vector_store %arg9[%swap3A_34], %gather3A_33 {strides = array<i32>} : memref<1024xi32, #tpu.memory_space<vmem>>, vector<16xi32>,
    %get3A_36 = arith.constant 80 : index
    %get3A_37 = tpu.vector_load %arg8[%get3A_36] {strides = array<i32>} : memref<1024xi32, #tpu.memory_space<vmem>>, vector<16xi32>,
    %gather3A_38 = tpu.vector_load_idx %arg6[%get3A_37] : memref<4096xi32, #tpu.memory_space<vmem>>[vector<16xi32>], vector<16xi32>,
    %gather3A_39 = tpu.vector_load_idx %arg7[%gather3A_38] : memref<1024xi32, #tpu.memory_space<vmem>>[vector<16xi32>], vector<16xi32>,
    %swap3A_40 = arith.constant 80 : index
    %swap3A_41 = tpu.vector_load %arg9[%swap3A_40] {strides = array<i32>} : memref<1024xi32, #tpu.memory_space<vmem>>, vector<16xi32>,
    tpu.vector_store %arg9[%swap3A_40], %gather3A_39 {strides = array<i32>} : memref<1024xi32, #tpu.memory_space<vmem>>, vector<16xi32>,
    %get3A_42 = arith.constant 96 : index
    %get3A_43 = tpu.vector_load %arg8[%get3A_42] {strides = array<i32>} : memref<1024xi32, #tpu.memory_space<vmem>>, vector<16xi32>,
    %gather3A_44 = tpu.vector_load_idx %arg6[%get3A_43] : memref<4096xi32, #tpu.memory_space<vmem>>[vector<16xi32>], vector<16xi32>,
    %gather3A_45 = tpu.vector_load_idx %arg7[%gather3A_44] : memref<1024xi32, #tpu.memory_space<vmem>>[vector<16xi32>], vector<16xi32>,
    %swap3A_46 = arith.constant 96 : index
    %swap3A_47 = tpu.vector_load %arg9[%swap3A_46] {strides = array<i32>} : memref<1024xi32, #tpu.memory_space<vmem>>, vector<16xi32>,
    tpu.vector_store %arg9[%swap3A_46], %gather3A_45 {strides = array<i32>} : memref<1024xi32, #tpu.memory_space<vmem>>, vector<16xi32>,
    %get3A_48 = arith.constant 112 : index
    %get3A_49 = tpu.vector_load %arg8[%get3A_48] {strides = array<i32>} : memref<1024xi32, #tpu.memory_space<vmem>>, vector<16xi32>,
    %gather3A_50 = tpu.vector_load_idx %arg6[%get3A_49] : memref<4096xi32, #tpu.memory_space<vmem>>[vector<16xi32>], vector<16xi32>,
    %gather3A_51 = tpu.vector_load_idx %arg7[%gather3A_50] : memref<1024xi32, #tpu.memory_space<vmem>>[vector<16xi32>], vector<16xi32>,
    %swap3A_52 = arith.constant 112 : index
    %swap3A_53 = tpu.vector_load %arg9[%swap3A_52] {strides = array<i32>} : memref<1024xi32, #tpu.memory_space<vmem>>, vector<16xi32>,
    tpu.vector_store %arg9[%swap3A_52], %gather3A_51 {strides = array<i32>} : memref<1024xi32, #tpu.memory_space<vmem>>, vector<16xi32>,
    %get3A_54 = arith.constant 128 : index
    %get3A_55 = tpu.vector_load %arg8[%get3A_54] {strides = array<i32>} : memref<1024xi32, #tpu.memory_space<vmem>>, vector<16xi32>,
    %gather3A_56 = tpu.vector_load_idx %arg6[%get3A_55] : memref<4096xi32, #tpu.memory_space<vmem>>[vector<16xi32>], vector<16xi32>,
    %gather3A_57 = tpu.vector_load_idx %arg7[%gather3A_56] : memref<1024xi32, #tpu.memory_space<vmem>>[vector<16xi32>], vector<16xi32>,
    %swap3A_58 = arith.constant 128 : index
    %swap3A_59 = tpu.vector_load %arg9[%swap3A_58] {strides = array<i32>} : memref<1024xi32, #tpu.memory_space<vmem>>, vector<16xi32>,
    tpu.vector_store %arg9[%swap3A_58], %gather3A_57 {strides = array<i32>} : memref<1024xi32, #tpu.memory_space<vmem>>, vector<16xi32>,
    %get3A_60 = arith.constant 144 : index
    %get3A_61 = tpu.vector_load %arg8[%get3A_60] {strides = array<i32>} : memref<1024xi32, #tpu.memory_space<vmem>>, vector<16xi32>,
    %gather3A_62 = tpu.vector_load_idx %arg6[%get3A_61] : memref<4096xi32, #tpu.memory_space<vmem>>[vector<16xi32>], vector<16xi32>,
    %gather3A_63 = tpu.vector_load_idx %arg7[%gather3A_62] : memref<1024xi32, #tpu.memory_space<vmem>>[vector<16xi32>], vector<16xi32>,
    %swap3A_64 = arith.constant 144 : index
    %swap3A_65 = tpu.vector_load %arg9[%swap3A_64] {strides = array<i32>} : memref<1024xi32, #tpu.memory_space<vmem>>, vector<16xi32>,
    tpu.vector_store %arg9[%swap3A_64], %gather3A_63 {strides = array<i32>} : memref<1024xi32, #tpu.memory_space<vmem>>, vector<16xi32>,
    %get3A_66 = arith.constant 160 : index
    %get3A_67 = tpu.vector_load %arg8[%get3A_66] {strides = array<i32>} : memref<1024xi32, #tpu.memory_space<vmem>>, vector<16xi32>,
    %gather3A_68 = tpu.vector_load_idx %arg6[%get3A_67] : memref<4096xi32, #tpu.memory_space<vmem>>[vector<16xi32>], vector<16xi32>,
    %gather3A_69 = tpu.vector_load_idx %arg7[%gather3A_68] : memref<1024xi32, #tpu.memory_space<vmem>>[vector<16xi32>], vector<16xi32>,
    %swap3A_70 = arith.constant 160 : index
    %swap3A_71 = tpu.vector_load %arg9[%swap3A_70] {strides = array<i32>} : memref<1024xi32, #tpu.memory_space<vmem>>, vector<16xi32>,
    tpu.vector_store %arg9[%swap3A_70], %gather3A_69 {strides = array<i32>} : memref<1024xi32, #tpu.memory_space<vmem>>, vector<16xi32>,
    %get3A_72 = arith.constant 176 : index
    %get3A_73 = tpu.vector_load %arg8[%get3A_72] {strides = array<i32>} : memref<1024xi32, #tpu.memory_space<vmem>>, vector<16xi32>,
    %gather3A_74 = tpu.vector_load_idx %arg6[%get3A_73] : memref<4096xi32, #tpu.memory_space<vmem>>[vector<16xi32>], vector<16xi32>,
    %gather3A_75 = tpu.vector_load_idx %arg7[%gather3A_74] : memref<1024xi32, #tpu.memory_space<vmem>>[vector<16xi32>], vector<16xi32>,
    %swap3A_76 = arith.constant 176 : index
    %swap3A_77 = tpu.vector_load %arg9[%swap3A_76] {strides = array<i32>} : memref<1024xi32, #tpu.memory_space<vmem>>, vector<16xi32>,
    tpu.vector_store %arg9[%swap3A_76], %gather3A_75 {strides = array<i32>} : memref<1024xi32, #tpu.memory_space<vmem>>, vector<16xi32>,
    %get3A_78 = arith.constant 192 : index
    %get3A_79 = tpu.vector_load %arg8[%get3A_78] {strides = array<i32>} : memref<1024xi32, #tpu.memory_space<vmem>>, vector<16xi32>,
    %gather3A_80 = tpu.vector_load_idx %arg6[%get3A_79] : memref<4096xi32, #tpu.memory_space<vmem>>[vector<16xi32>], vector<16xi32>,
    %gather3A_81 = tpu.vector_load_idx %arg7[%gather3A_80] : memref<1024xi32, #tpu.memory_space<vmem>>[vector<16xi32>], vector<16xi32>,
    %swap3A_82 = arith.constant 192 : index
    %swap3A_83 = tpu.vector_load %arg9[%swap3A_82] {strides = array<i32>} : memref<1024xi32, #tpu.memory_space<vmem>>, vector<16xi32>,
    tpu.vector_store %arg9[%swap3A_82], %gather3A_81 {strides = array<i32>} : memref<1024xi32, #tpu.memory_space<vmem>>, vector<16xi32>,
    %get3A_84 = arith.constant 208 : index
    %get3A_85 = tpu.vector_load %arg8[%get3A_84] {strides = array<i32>} : memref<1024xi32, #tpu.memory_space<vmem>>, vector<16xi32>,
    %gather3A_86 = tpu.vector_load_idx %arg6[%get3A_85] : memref<4096xi32, #tpu.memory_space<vmem>>[vector<16xi32>], vector<16xi32>,
    %gather3A_87 = tpu.vector_load_idx %arg7[%gather3A_86] : memref<1024xi32, #tpu.memory_space<vmem>>[vector<16xi32>], vector<16xi32>,
    %swap3A_88 = arith.constant 208 : index
    %swap3A_89 = tpu.vector_load %arg9[%swap3A_88] {strides = array<i32>} : memref<1024xi32, #tpu.memory_space<vmem>>, vector<16xi32>,
    tpu.vector_store %arg9[%swap3A_88], %gather3A_87 {strides = array<i32>} : memref<1024xi32, #tpu.memory_space<vmem>>, vector<16xi32>,
    %get3A_90 = arith.constant 224 : index
    %get3A_91 = tpu.vector_load %arg8[%get3A_90] {strides = array<i32>} : memref<1024xi32, #tpu.memory_space<vmem>>, vector<16xi32>,
    %gather3A_92 = tpu.vector_load_idx %arg6[%get3A_91] : memref<4096xi32, #tpu.memory_space<vmem>>[vector<16xi32>], vector<16xi32>,
    %gather3A_93 = tpu.vector_load_idx %arg7[%gather3A_92] : memref<1024xi32, #tpu.memory_space<vmem>>[vector<16xi32>], vector<16xi32>,
    %swap3A_94 = arith.constant 224 : index
    %swap3A_95 = tpu.vector_load %arg9[%swap3A_94] {strides = array<i32>} : memref<1024xi32, #tpu.memory_space<vmem>>, vector<16xi32>,
    tpu.vector_store %arg9[%swap3A_94], %gather3A_93 {strides = array<i32>} : memref<1024xi32, #tpu.memory_space<vmem>>, vector<16xi32>,
    %get3A_96 = arith.constant 240 : index
    %get3A_97 = tpu.vector_load %arg8[%get3A_96] {strides = array<i32>} : memref<1024xi32, #tpu.memory_space<vmem>>, vector<16xi32>,
    %gather3A_98 = tpu.vector_load_idx %arg6[%get3A_97] : memref<4096xi32, #tpu.memory_space<vmem>>[vector<16xi32>], vector<16xi32>,
    %gather3A_99 = tpu.vector_load_idx %arg7[%gather3A_98] : memref<1024xi32, #tpu.memory_space<vmem>>[vector<16xi32>], vector<16xi32>,
    %swap3A_100 = arith.constant 240 : index
    %swap3A_101 = tpu.vector_load %arg9[%swap3A_100] {strides = array<i32>} : memref<1024xi32, #tpu.memory_space<vmem>>, vector<16xi32>,
    tpu.vector_store %arg9[%swap3A_100], %gather3A_99 {strides = array<i32>} : memref<1024xi32, #tpu.memory_space<vmem>>, vector<16xi32>,
    %get3A_102 = arith.constant 256 : index
    %get3A_103 = tpu.vector_load %arg8[%get3A_102] {strides = array<i32>} : memref<1024xi32, #tpu.memory_space<vmem>>, vector<16xi32>,
    %gather3A_104 = tpu.vector_load_idx %arg6[%get3A_103] : memref<4096xi32, #tpu.memory_space<vmem>>[vector<16xi32>], vector<16xi32>,
    %gather3A_105 = tpu.vector_load_idx %arg7[%gather3A_104] : memref<1024xi32, #tpu.memory_space<vmem>>[vector<16xi32>], vector<16xi32>,
    %swap3A_106 = arith.constant 256 : index
    %swap3A_107 = tpu.vector_load %arg9[%swap3A_106] {strides = array<i32>} : memref<1024xi32, #tpu.memory_space<vmem>>, vector<16xi32>,
    tpu.vector_store %arg9[%swap3A_106], %gather3A_105 {strides = array<i32>} : memref<1024xi32, #tpu.memory_space<vmem>>, vector<16xi32>,
    %get3A_108 = arith.constant 272 : index
    %get3A_109 = tpu.vector_load %arg8[%get3A_108] {strides = array<i32>} : memref<1024xi32, #tpu.memory_space<vmem>>, vector<16xi32>,
    %gather3A_110 = tpu.vector_load_idx %arg6[%get3A_109] : memref<4096xi32, #tpu.memory_space<vmem>>[vector<16xi32>], vector<16xi32>,
    %gather3A_111 = tpu.vector_load_idx %arg7[%gather3A_110] : memref<1024xi32, #tpu.memory_space<vmem>>[vector<16xi32>], vector<16xi32>,
    %swap3A_112 = arith.constant 272 : index
    %swap3A_113 = tpu.vector_load %arg9[%swap3A_112] {strides = array<i32>} : memref<1024xi32, #tpu.memory_space<vmem>>, vector<16xi32>,
    tpu.vector_store %arg9[%swap3A_112], %gather3A_111 {strides = array<i32>} : memref<1024xi32, #tpu.memory_space<vmem>>, vector<16xi32>,
    %get3A_114 = arith.constant 288 : index
    %get3A_115 = tpu.vector_load %arg8[%get3A_114] {strides = array<i32>} : memref<1024xi32, #tpu.memory_space<vmem>>, vector<16xi32>,
    %gather3A_116 = tpu.vector_load_idx %arg6[%get3A_115] : memref<4096xi32, #tpu.memory_space<vmem>>[vector<16xi32>], vector<16xi32>,
    %gather3A_117 = tpu.vector_load_idx %arg7[%gather3A_116] : memref<1024xi32, #tpu.memory_space<vmem>>[vector<16xi32>], vector<16xi32>,
    %swap3A_118 = arith.constant 288 : index
    %swap3A_119 = tpu.vector_load %arg9[%swap3A_118] {strides = array<i32>} : memref<1024xi32, #tpu.memory_space<vmem>>, vector<16xi32>,
    tpu.vector_store %arg9[%swap3A_118], %gather3A_117 {strides = array<i32>} : memref<1024xi32, #tpu.memory_space<vmem>>, vector<16xi32>,
    %get3A_120 = arith.constant 304 : index
    %get3A_121 = tpu.vector_load %arg8[%get3A_120] {strides = array<i32>} : memref<1024xi32, #tpu.memory_space<vmem>>, vector<16xi32>,
    %gather3A_122 = tpu.vector_load_idx %arg6[%get3A_121] : memref<4096xi32, #tpu.memory_space<vmem>>[vector<16xi32>], vector<16xi32>,
    %gather3A_123 = tpu.vector_load_idx %arg7[%gather3A_122] : memref<1024xi32, #tpu.memory_space<vmem>>[vector<16xi32>], vector<16xi32>,
    %swap3A_124 = arith.constant 304 : index
    %swap3A_125 = tpu.vector_load %arg9[%swap3A_124] {strides = array<i32>} : memref<1024xi32, #tpu.memory_space<vmem>>, vector<16xi32>,
    tpu.vector_store %arg9[%swap3A_124], %gather3A_123 {strides = array<i32>} : memref<1024xi32, #tpu.memory_space<vmem>>, vector<16xi32>,
    %get3A_126 = arith.constant 320 : index
    %get3A_127 = tpu.vector_load %arg8[%get3A_126] {strides = array<i32>} : memref<1024xi32, #tpu.memory_space<vmem>>, vector<16xi32>,
    %gather3A_128 = tpu.vector_load_idx %arg6[%get3A_127] : memref<4096xi32, #tpu.memory_space<vmem>>[vector<16xi32>], vector<16xi32>,
    %gather3A_129 = tpu.vector_load_idx %arg7[%gather3A_128] : memref<1024xi32, #tpu.memory_space<vmem>>[vector<16xi32>], vector<16xi32>,
    %swap3A_130 = arith.constant 320 : index
    %swap3A_131 = tpu.vector_load %arg9[%swap3A_130] {strides = array<i32>} : memref<1024xi32, #tpu.memory_space<vmem>>, vector<16xi32>,
    tpu.vector_store %arg9[%swap3A_130], %gather3A_129 {strides = array<i32>} : memref<1024xi32, #tpu.memory_space<vmem>>, vector<16xi32>,
    %get3A_132 = arith.constant 336 : index
    %get3A_133 = tpu.vector_load %arg8[%get3A_132] {strides = array<i32>} : memref<1024xi32, #tpu.memory_space<vmem>>, vector<16xi32>,
    %gather3A_134 = tpu.vector_load_idx %arg6[%get3A_133] : memref<4096xi32, #tpu.memory_space<vmem>>[vector<16xi32>], vector<16xi32>,
    %gather3A_135 = tpu.vector_load_idx %arg7[%gather3A_134] : memref<1024xi32, #tpu.memory_space<vmem>>[vector<16xi32>], vector<16xi32>,
    %swap3A_136 = arith.constant 336 : index
    %swap3A_137 = tpu.vector_load %arg9[%swap3A_136] {strides = array<i32>} : memref<1024xi32, #tpu.memory_space<vmem>>, vector<16xi32>,
    tpu.vector_store %arg9[%swap3A_136], %gather3A_135 {strides = array<i32>} : memref<1024xi32, #tpu.memory_space<vmem>>, vector<16xi32>,
    %get3A_138 = arith.constant 352 : index
    %get3A_139 = tpu.vector_load %arg8[%get3A_138] {strides = array<i32>} : memref<1024xi32, #tpu.memory_space<vmem>>, vector<16xi32>,
    %gather3A_140 = tpu.vector_load_idx %arg6[%get3A_139] : memref<4096xi32, #tpu.memory_space<vmem>>[vector<16xi32>], vector<16xi32>,
    %gather3A_141 = tpu.vector_load_idx %arg7[%gather3A_140] : memref<1024xi32, #tpu.memory_space<vmem>>[vector<16xi32>], vector<16xi32>,
    %swap3A_142 = arith.constant 352 : index
    %swap3A_143 = tpu.vector_load %arg9[%swap3A_142] {strides = array<i32>} : memref<1024xi32, #tpu.memory_space<vmem>>, vector<16xi32>,
    tpu.vector_store %arg9[%swap3A_142], %gather3A_141 {strides = array<i32>} : memref<1024xi32, #tpu.memory_space<vmem>>, vector<16xi32>,
    %get3A_144 = arith.constant 368 : index
    %get3A_145 = tpu.vector_load %arg8[%get3A_144] {strides = array<i32>} : memref<1024xi32, #tpu.memory_space<vmem>>, vector<16xi32>,
    %gather3A_146 = tpu.vector_load_idx %arg6[%get3A_145] : memref<4096xi32, #tpu.memory_space<vmem>>[vector<16xi32>], vector<16xi32>,
    %gather3A_147 = tpu.vector_load_idx %arg7[%gather3A_146] : memref<1024xi32, #tpu.memory_space<vmem>>[vector<16xi32>], vector<16xi32>,
    %swap3A_148 = arith.constant 368 : index
    %swap3A_149 = tpu.vector_load %arg9[%swap3A_148] {strides = array<i32>} : memref<1024xi32, #tpu.memory_space<vmem>>, vector<16xi32>,
    tpu.vector_store %arg9[%swap3A_148], %gather3A_147 {strides = array<i32>} : memref<1024xi32, #tpu.memory_space<vmem>>, vector<16xi32>,
    %get3A_150 = arith.constant 384 : index
    %get3A_151 = tpu.vector_load %arg8[%get3A_150] {strides = array<i32>} : memref<1024xi32, #tpu.memory_space<vmem>>, vector<16xi32>,
    %gather3A_152 = tpu.vector_load_idx %arg6[%get3A_151] : memref<4096xi32, #tpu.memory_space<vmem>>[vector<16xi32>], vector<16xi32>,
    %gather3A_153 = tpu.vector_load_idx %arg7[%gather3A_152] : memref<1024xi32, #tpu.memory_space<vmem>>[vector<16xi32>], vector<16xi32>,
    %swap3A_154 = arith.constant 384 : index
    %swap3A_155 = tpu.vector_load %arg9[%swap3A_154] {strides = array<i32>} : memref<1024xi32, #tpu.memory_space<vmem>>, vector<16xi32>,
    tpu.vector_store %arg9[%swap3A_154], %gather3A_153 {strides = array<i32>} : memref<1024xi32, #tpu.memory_space<vmem>>, vector<16xi32>,
    %get3A_156 = arith.constant 400 : index
    %get3A_157 = tpu.vector_load %arg8[%get3A_156] {strides = array<i32>} : memref<1024xi32, #tpu.memory_space<vmem>>, vector<16xi32>,
    %gather3A_158 = tpu.vector_load_idx %arg6[%get3A_157] : memref<4096xi32, #tpu.memory_space<vmem>>[vector<16xi32>], vector<16xi32>,
    %gather3A_159 = tpu.vector_load_idx %arg7[%gather3A_158] : memref<1024xi32, #tpu.memory_space<vmem>>[vector<16xi32>], vector<16xi32>,
    %swap3A_160 = arith.constant 400 : index
    %swap3A_161 = tpu.vector_load %arg9[%swap3A_160] {strides = array<i32>} : memref<1024xi32, #tpu.memory_space<vmem>>, vector<16xi32>,
    tpu.vector_store %arg9[%swap3A_160], %gather3A_159 {strides = array<i32>} : memref<1024xi32, #tpu.memory_space<vmem>>, vector<16xi32>,
    %get3A_162 = arith.constant 416 : index
    %get3A_163 = tpu.vector_load %arg8[%get3A_162] {strides = array<i32>} : memref<1024xi32, #tpu.memory_space<vmem>>, vector<16xi32>,
    %gather3A_164 = tpu.vector_load_idx %arg6[%get3A_163] : memref<4096xi32, #tpu.memory_space<vmem>>[vector<16xi32>], vector<16xi32>,
    %gather3A_165 = tpu.vector_load_idx %arg7[%gather3A_164] : memref<1024xi32, #tpu.memory_space<vmem>>[vector<16xi32>], vector<16xi32>,
    %swap3A_166 = arith.constant 416 : index
    %swap3A_167 = tpu.vector_load %arg9[%swap3A_166] {strides = array<i32>} : memref<1024xi32, #tpu.memory_space<vmem>>, vector<16xi32>,
    tpu.vector_store %arg9[%swap3A_166], %gather3A_165 {strides = array<i32>} : memref<1024xi32, #tpu.memory_space<vmem>>, vector<16xi32>,
    %get3A_168 = arith.constant 432 : index
    %get3A_169 = tpu.vector_load %arg8[%get3A_168] {strides = array<i32>} : memref<1024xi32, #tpu.memory_space<vmem>>, vector<16xi32>,
    %gather3A_170 = tpu.vector_load_idx %arg6[%get3A_169] : memref<4096xi32, #tpu.memory_space<vmem>>[vector<16xi32>], vector<16xi32>,
    %gather3A_171 = tpu.vector_load_idx %arg7[%gather3A_170] : memref<1024xi32, #tpu.memory_space<vmem>>[vector<16xi32>], vector<16xi32>,
    %swap3A_172 = arith.constant 432 : index
    %swap3A_173 = tpu.vector_load %arg9[%swap3A_172] {strides = array<i32>} : memref<1024xi32, #tpu.memory_space<vmem>>, vector<16xi32>,
    tpu.vector_store %arg9[%swap3A_172], %gather3A_171 {strides = array<i32>} : memref<1024xi32, #tpu.memory_space<vmem>>, vector<16xi32>,
    %get3A_174 = arith.constant 448 : index
    %get3A_175 = tpu.vector_load %arg8[%get3A_174] {strides = array<i32>} : memref<1024xi32, #tpu.memory_space<vmem>>, vector<16xi32>,
    %gather3A_176 = tpu.vector_load_idx %arg6[%get3A_175] : memref<4096xi32, #tpu.memory_space<vmem>>[vector<16xi32>], vector<16xi32>,
    %gather3A_177 = tpu.vector_load_idx %arg7[%gather3A_176] : memref<1024xi32, #tpu.memory_space<vmem>>[vector<16xi32>], vector<16xi32>,
    %swap3A_178 = arith.constant 448 : index
    %swap3A_179 = tpu.vector_load %arg9[%swap3A_178] {strides = array<i32>} : memref<1024xi32, #tpu.memory_space<vmem>>, vector<16xi32>,
    tpu.vector_store %arg9[%swap3A_178], %gather3A_177 {strides = array<i32>} : memref<1024xi32, #tpu.memory_space<vmem>>, vector<16xi32>,
    %get3A_180 = arith.constant 464 : index
    %get3A_181 = tpu.vector_load %arg8[%get3A_180] {strides = array<i32>} : memref<1024xi32, #tpu.memory_space<vmem>>, vector<16xi32>,
    %gather3A_182 = tpu.vector_load_idx %arg6[%get3A_181] : memref<4096xi32, #tpu.memory_space<vmem>>[vector<16xi32>], vector<16xi32>,
    %gather3A_183 = tpu.vector_load_idx %arg7[%gather3A_182] : memref<1024xi32, #tpu.memory_space<vmem>>[vector<16xi32>], vector<16xi32>,
    %swap3A_184 = arith.constant 464 : index
    %swap3A_185 = tpu.vector_load %arg9[%swap3A_184] {strides = array<i32>} : memref<1024xi32, #tpu.memory_space<vmem>>, vector<16xi32>,
    tpu.vector_store %arg9[%swap3A_184], %gather3A_183 {strides = array<i32>} : memref<1024xi32, #tpu.memory_space<vmem>>, vector<16xi32>,
    %get3A_186 = arith.constant 480 : index
    %get3A_187 = tpu.vector_load %arg8[%get3A_186] {strides = array<i32>} : memref<1024xi32, #tpu.memory_space<vmem>>, vector<16xi32>,
    %gather3A_188 = tpu.vector_load_idx %arg6[%get3A_187] : memref<4096xi32, #tpu.memory_space<vmem>>[vector<16xi32>], vector<16xi32>,
    %gather3A_189 = tpu.vector_load_idx %arg7[%gather3A_188] : memref<1024xi32, #tpu.memory_space<vmem>>[vector<16xi32>], vector<16xi32>,
    %swap3A_190 = arith.constant 480 : index
    %swap3A_191 = tpu.vector_load %arg9[%swap3A_190] {strides = array<i32>} : memref<1024xi32, #tpu.memory_space<vmem>>, vector<16xi32>,
    tpu.vector_store %arg9[%swap3A_190], %gather3A_189 {strides = array<i32>} : memref<1024xi32, #tpu.memory_space<vmem>>, vector<16xi32>,
    %get3A_192 = arith.constant 496 : index
    %get3A_193 = tpu.vector_load %arg8[%get3A_192] {strides = array<i32>} : memref<1024xi32, #tpu.memory_space<vmem>>, vector<16xi32>,
    %gather3A_194 = tpu.vector_load_idx %arg6[%get3A_193] : memref<4096xi32, #tpu.memory_space<vmem>>[vector<16xi32>], vector<16xi32>,
    %gather3A_195 = tpu.vector_load_idx %arg7[%gather3A_194] : memref<1024xi32, #tpu.memory_space<vmem>>[vector<16xi32>], vector<16xi32>,
    %swap3A_196 = arith.constant 496 : index
    %swap3A_197 = tpu.vector_load %arg9[%swap3A_196] {strides = array<i32>} : memref<1024xi32, #tpu.memory_space<vmem>>, vector<16xi32>,
    tpu.vector_store %arg9[%swap3A_196], %gather3A_195 {strides = array<i32>} : memref<1024xi32, #tpu.memory_space<vmem>>, vector<16xi32>,
    %get3A_198 = arith.constant 512 : index
    %get3A_199 = tpu.vector_load %arg8[%get3A_198] {strides = array<i32>} : memref<1024xi32, #tpu.memory_space<vmem>>, vector<16xi32>,
    %gather3A_200 = tpu.vector_load_idx %arg6[%get3A_199] : memref<4096xi32, #tpu.memory_space<vmem>>[vector<16xi32>], vector<16xi32>,
    %gather3A_201 = tpu.vector_load_idx %arg7[%gather3A_200] : memref<1024xi32, #tpu.memory_space<vmem>>[vector<16xi32>], vector<16xi32>,
    %swap3A_202 = arith.constant 512 : index
    %swap3A_203 = tpu.vector_load %arg9[%swap3A_202] {strides = array<i32>} : memref<1024xi32, #tpu.memory_space<vmem>>, vector<16xi32>,
    tpu.vector_store %arg9[%swap3A_202], %gather3A_201 {strides = array<i32>} : memref<1024xi32, #tpu.memory_space<vmem>>, vector<16xi32>,
    %get3A_204 = arith.constant 528 : index
    %get3A_205 = tpu.vector_load %arg8[%get3A_204] {strides = array<i32>} : memref<1024xi32, #tpu.memory_space<vmem>>, vector<16xi32>,
    %gather3A_206 = tpu.vector_load_idx %arg6[%get3A_205] : memref<4096xi32, #tpu.memory_space<vmem>>[vector<16xi32>], vector<16xi32>,
    %gather3A_207 = tpu.vector_load_idx %arg7[%gather3A_206] : memref<1024xi32, #tpu.memory_space<vmem>>[vector<16xi32>], vector<16xi32>,
    %swap3A_208 = arith.constant 528 : index
    %swap3A_209 = tpu.vector_load %arg9[%swap3A_208] {strides = array<i32>} : memref<1024xi32, #tpu.memory_space<vmem>>, vector<16xi32>,
    tpu.vector_store %arg9[%swap3A_208], %gather3A_207 {strides = array<i32>} : memref<1024xi32, #tpu.memory_space<vmem>>, vector<16xi32>,
    %get3A_210 = arith.constant 544 : index
    %get3A_211 = tpu.vector_load %arg8[%get3A_210] {strides = array<i32>} : memref<1024xi32, #tpu.memory_space<vmem>>, vector<16xi32>,
    %gather3A_212 = tpu.vector_load_idx %arg6[%get3A_211] : memref<4096xi32, #tpu.memory_space<vmem>>[vector<16xi32>], vector<16xi32>,
    %gather3A_213 = tpu.vector_load_idx %arg7[%gather3A_212] : memref<1024xi32, #tpu.memory_space<vmem>>[vector<16xi32>], vector<16xi32>,
    %swap3A_214 = arith.constant 544 : index
    %swap3A_215 = tpu.vector_load %arg9[%swap3A_214] {strides = array<i32>} : memref<1024xi32, #tpu.memory_space<vmem>>, vector<16xi32>,
    tpu.vector_store %arg9[%swap3A_214], %gather3A_213 {strides = array<i32>} : memref<1024xi32, #tpu.memory_space<vmem>>, vector<16xi32>,
    %get3A_216 = arith.constant 560 : index
    %get3A_217 = tpu.vector_load %arg8[%get3A_216] {strides = array<i32>} : memref<1024xi32, #tpu.memory_space<vmem>>, vector<16xi32>,
    %gather3A_218 = tpu.vector_load_idx %arg6[%get3A_217] : memref<4096xi32, #tpu.memory_space<vmem>>[vector<16xi32>], vector<16xi32>,
    %gather3A_219 = tpu.vector_load_idx %arg7[%gather3A_218] : memref<1024xi32, #tpu.memory_space<vmem>>[vector<16xi32>], vector<16xi32>,
    %swap3A_220 = arith.constant 560 : index
    %swap3A_221 = tpu.vector_load %arg9[%swap3A_220] {strides = array<i32>} : memref<1024xi32, #tpu.memory_space<vmem>>, vector<16xi32>,
    tpu.vector_store %arg9[%swap3A_220], %gather3A_219 {strides = array<i32>} : memref<1024xi32, #tpu.memory_space<vmem>>, vector<16xi32>,
    %get3A_222 = arith.constant 576 : index
    %get3A_223 = tpu.vector_load %arg8[%get3A_222] {strides = array<i32>} : memref<1024xi32, #tpu.memory_space<vmem>>, vector<16xi32>,
    %gather3A_224 = tpu.vector_load_idx %arg6[%get3A_223] : memref<4096xi32, #tpu.memory_space<vmem>>[vector<16xi32>], vector<16xi32>,
    %gather3A_225 = tpu.vector_load_idx %arg7[%gather3A_224] : memref<1024xi32, #tpu.memory_space<vmem>>[vector<16xi32>], vector<16xi32>,
    %swap3A_226 = arith.constant 576 : index
    %swap3A_227 = tpu.vector_load %arg9[%swap3A_226] {strides = array<i32>} : memref<1024xi32, #tpu.memory_space<vmem>>, vector<16xi32>,
    tpu.vector_store %arg9[%swap3A_226], %gather3A_225 {strides = array<i32>} : memref<1024xi32, #tpu.memory_space<vmem>>, vector<16xi32>,
    %get3A_228 = arith.constant 592 : index
    %get3A_229 = tpu.vector_load %arg8[%get3A_228] {strides = array<i32>} : memref<1024xi32, #tpu.memory_space<vmem>>, vector<16xi32>,
    %gather3A_230 = tpu.vector_load_idx %arg6[%get3A_229] : memref<4096xi32, #tpu.memory_space<vmem>>[vector<16xi32>], vector<16xi32>,
    %gather3A_231 = tpu.vector_load_idx %arg7[%gather3A_230] : memref<1024xi32, #tpu.memory_space<vmem>>[vector<16xi32>], vector<16xi32>,
    %swap3A_232 = arith.constant 592 : index
    %swap3A_233 = tpu.vector_load %arg9[%swap3A_232] {strides = array<i32>} : memref<1024xi32, #tpu.memory_space<vmem>>, vector<16xi32>,
    tpu.vector_store %arg9[%swap3A_232], %gather3A_231 {strides = array<i32>} : memref<1024xi32, #tpu.memory_space<vmem>>, vector<16xi32>,
    %get3A_234 = arith.constant 608 : index
    %get3A_235 = tpu.vector_load %arg8[%get3A_234] {strides = array<i32>} : memref<1024xi32, #tpu.memory_space<vmem>>, vector<16xi32>,
    %gather3A_236 = tpu.vector_load_idx %arg6[%get3A_235] : memref<4096xi32, #tpu.memory_space<vmem>>[vector<16xi32>], vector<16xi32>,
    %gather3A_237 = tpu.vector_load_idx %arg7[%gather3A_236] : memref<1024xi32, #tpu.memory_space<vmem>>[vector<16xi32>], vector<16xi32>,
    %swap3A_238 = arith.constant 608 : index
    %swap3A_239 = tpu.vector_load %arg9[%swap3A_238] {strides = array<i32>} : memref<1024xi32, #tpu.memory_space<vmem>>, vector<16xi32>,
    tpu.vector_store %arg9[%swap3A_238], %gather3A_237 {strides = array<i32>} : memref<1024xi32, #tpu.memory_space<vmem>>, vector<16xi32>,
    %get3A_240 = arith.constant 624 : index
    %get3A_241 = tpu.vector_load %arg8[%get3A_240] {strides = array<i32>} : memref<1024xi32, #tpu.memory_space<vmem>>, vector<16xi32>,
    %gather3A_242 = tpu.vector_load_idx %arg6[%get3A_241] : memref<4096xi32, #tpu.memory_space<vmem>>[vector<16xi32>], vector<16xi32>,
    %gather3A_243 = tpu.vector_load_idx %arg7[%gather3A_242] : memref<1024xi32, #tpu.memory_space<vmem>>[vector<16xi32>], vector<16xi32>,
    %swap3A_244 = arith.constant 624 : index
    %swap3A_245 = tpu.vector_load %arg9[%swap3A_244] {strides = array<i32>} : memref<1024xi32, #tpu.memory_space<vmem>>, vector<16xi32>,
    tpu.vector_store %arg9[%swap3A_244], %gather3A_243 {strides = array<i32>} : memref<1024xi32, #tpu.memory_space<vmem>>, vector<16xi32>,
    %get3A_246 = arith.constant 640 : index
    %get3A_247 = tpu.vector_load %arg8[%get3A_246] {strides = array<i32>} : memref<1024xi32, #tpu.memory_space<vmem>>, vector<16xi32>,
    %gather3A_248 = tpu.vector_load_idx %arg6[%get3A_247] : memref<4096xi32, #tpu.memory_space<vmem>>[vector<16xi32>], vector<16xi32>,
    %gather3A_249 = tpu.vector_load_idx %arg7[%gather3A_248] : memref<1024xi32, #tpu.memory_space<vmem>>[vector<16xi32>], vector<16xi32>,
    %swap3A_250 = arith.constant 640 : index
    %swap3A_251 = tpu.vector_load %arg9[%swap3A_250] {strides = array<i32>} : memref<1024xi32, #tpu.memory_space<vmem>>, vector<16xi32>,
    tpu.vector_store %arg9[%swap3A_250], %gather3A_249 {strides = array<i32>} : memref<1024xi32, #tpu.memory_space<vmem>>, vector<16xi32>,
    %get3A_252 = arith.constant 656 : index
    %get3A_253 = tpu.vector_load %arg8[%get3A_252] {strides = array<i32>} : memref<1024xi32, #tpu.memory_space<vmem>>, vector<16xi32>,
    %gather3A_254 = tpu.vector_load_idx %arg6[%get3A_253] : memref<4096xi32, #tpu.memory_space<vmem>>[vector<16xi32>], vector<16xi32>,
    %gather3A_255 = tpu.vector_load_idx %arg7[%gather3A_254] : memref<1024xi32, #tpu.memory_space<vmem>>[vector<16xi32>], vector<16xi32>,
    %swap3A_256 = arith.constant 656 : index
    %swap3A_257 = tpu.vector_load %arg9[%swap3A_256] {strides = array<i32>} : memref<1024xi32, #tpu.memory_space<vmem>>, vector<16xi32>,
    tpu.vector_store %arg9[%swap3A_256], %gather3A_255 {strides = array<i32>} : memref<1024xi32, #tpu.memory_space<vmem>>, vector<16xi32>,
    %get3A_258 = arith.constant 672 : index
    %get3A_259 = tpu.vector_load %arg8[%get3A_258] {strides = array<i32>} : memref<1024xi32, #tpu.memory_space<vmem>>, vector<16xi32>,
    %gather3A_260 = tpu.vector_load_idx %arg6[%get3A_259] : memref<4096xi32, #tpu.memory_space<vmem>>[vector<16xi32>], vector<16xi32>,
    %gather3A_261 = tpu.vector_load_idx %arg7[%gather3A_260] : memref<1024xi32, #tpu.memory_space<vmem>>[vector<16xi32>], vector<16xi32>,
    %swap3A_262 = arith.constant 672 : index
    %swap3A_263 = tpu.vector_load %arg9[%swap3A_262] {strides = array<i32>} : memref<1024xi32, #tpu.memory_space<vmem>>, vector<16xi32>,
    tpu.vector_store %arg9[%swap3A_262], %gather3A_261 {strides = array<i32>} : memref<1024xi32, #tpu.memory_space<vmem>>, vector<16xi32>,
    %get3A_264 = arith.constant 688 : index
    %get3A_265 = tpu.vector_load %arg8[%get3A_264] {strides = array<i32>} : memref<1024xi32, #tpu.memory_space<vmem>>, vector<16xi32>,
    %gather3A_266 = tpu.vector_load_idx %arg6[%get3A_265] : memref<4096xi32, #tpu.memory_space<vmem>>[vector<16xi32>], vector<16xi32>,
    %gather3A_267 = tpu.vector_load_idx %arg7[%gather3A_266] : memref<1024xi32, #tpu.memory_space<vmem>>[vector<16xi32>], vector<16xi32>,
    %swap3A_268 = arith.constant 688 : index
    %swap3A_269 = tpu.vector_load %arg9[%swap3A_268] {strides = array<i32>} : memref<1024xi32, #tpu.memory_space<vmem>>, vector<16xi32>,
    tpu.vector_store %arg9[%swap3A_268], %gather3A_267 {strides = array<i32>} : memref<1024xi32, #tpu.memory_space<vmem>>, vector<16xi32>,
    %get3A_270 = arith.constant 704 : index
    %get3A_271 = tpu.vector_load %arg8[%get3A_270] {strides = array<i32>} : memref<1024xi32, #tpu.memory_space<vmem>>, vector<16xi32>,
    %gather3A_272 = tpu.vector_load_idx %arg6[%get3A_271] : memref<4096xi32, #tpu.memory_space<vmem>>[vector<16xi32>], vector<16xi32>,
    %gather3A_273 = tpu.vector_load_idx %arg7[%gather3A_272] : memref<1024xi32, #tpu.memory_space<vmem>>[vector<16xi32>], vector<16xi32>,
    %swap3A_274 = arith.constant 704 : index
    %swap3A_275 = tpu.vector_load %arg9[%swap3A_274] {strides = array<i32>} : memref<1024xi32, #tpu.memory_space<vmem>>, vector<16xi32>,
    tpu.vector_store %arg9[%swap3A_274], %gather3A_273 {strides = array<i32>} : memref<1024xi32, #tpu.memory_space<vmem>>, vector<16xi32>,
    %get3A_276 = arith.constant 720 : index
    %get3A_277 = tpu.vector_load %arg8[%get3A_276] {strides = array<i32>} : memref<1024xi32, #tpu.memory_space<vmem>>, vector<16xi32>,
    %gather3A_278 = tpu.vector_load_idx %arg6[%get3A_277] : memref<4096xi32, #tpu.memory_space<vmem>>[vector<16xi32>], vector<16xi32>,
    %gather3A_279 = tpu.vector_load_idx %arg7[%gather3A_278] : memref<1024xi32, #tpu.memory_space<vmem>>[vector<16xi32>], vector<16xi32>,
    %swap3A_280 = arith.constant 720 : index
    %swap3A_281 = tpu.vector_load %arg9[%swap3A_280] {strides = array<i32>} : memref<1024xi32, #tpu.memory_space<vmem>>, vector<16xi32>,
    tpu.vector_store %arg9[%swap3A_280], %gather3A_279 {strides = array<i32>} : memref<1024xi32, #tpu.memory_space<vmem>>, vector<16xi32>,
    %get3A_282 = arith.constant 736 : index
    %get3A_283 = tpu.vector_load %arg8[%get3A_282] {strides = array<i32>} : memref<1024xi32, #tpu.memory_space<vmem>>, vector<16xi32>,
    %gather3A_284 = tpu.vector_load_idx %arg6[%get3A_283] : memref<4096xi32, #tpu.memory_space<vmem>>[vector<16xi32>], vector<16xi32>,
    %gather3A_285 = tpu.vector_load_idx %arg7[%gather3A_284] : memref<1024xi32, #tpu.memory_space<vmem>>[vector<16xi32>], vector<16xi32>,
    %swap3A_286 = arith.constant 736 : index
    %swap3A_287 = tpu.vector_load %arg9[%swap3A_286] {strides = array<i32>} : memref<1024xi32, #tpu.memory_space<vmem>>, vector<16xi32>,
    tpu.vector_store %arg9[%swap3A_286], %gather3A_285 {strides = array<i32>} : memref<1024xi32, #tpu.memory_space<vmem>>, vector<16xi32>,
    %get3A_288 = arith.constant 752 : index
    %get3A_289 = tpu.vector_load %arg8[%get3A_288] {strides = array<i32>} : memref<1024xi32, #tpu.memory_space<vmem>>, vector<16xi32>,
    %gather3A_290 = tpu.vector_load_idx %arg6[%get3A_289] : memref<4096xi32, #tpu.memory_space<vmem>>[vector<16xi32>], vector<16xi32>,
    %gather3A_291 = tpu.vector_load_idx %arg7[%gather3A_290] : memref<1024xi32, #tpu.memory_space<vmem>>[vector<16xi32>], vector<16xi32>,
    %swap3A_292 = arith.constant 752 : index
    %swap3A_293 = tpu.vector_load %arg9[%swap3A_292] {strides = array<i32>} : memref<1024xi32, #tpu.memory_space<vmem>>, vector<16xi32>,
    tpu.vector_store %arg9[%swap3A_292], %gather3A_291 {strides = array<i32>} : memref<1024xi32, #tpu.memory_space<vmem>>, vector<16xi32>,
    %get3A_294 = arith.constant 768 : index
    %get3A_295 = tpu.vector_load %arg8[%get3A_294] {strides = array<i32>} : memref<1024xi32, #tpu.memory_space<vmem>>, vector<16xi32>,
    %gather3A_296 = tpu.vector_load_idx %arg6[%get3A_295] : memref<4096xi32, #tpu.memory_space<vmem>>[vector<16xi32>], vector<16xi32>,
    %gather3A_297 = tpu.vector_load_idx %arg7[%gather3A_296] : memref<1024xi32, #tpu.memory_space<vmem>>[vector<16xi32>], vector<16xi32>,
    %swap3A_298 = arith.constant 768 : index
    %swap3A_299 = tpu.vector_load %arg9[%swap3A_298] {strides = array<i32>} : memref<1024xi32, #tpu.memory_space<vmem>>, vector<16xi32>,
    tpu.vector_store %arg9[%swap3A_298], %gather3A_297 {strides = array<i32>} : memref<1024xi32, #tpu.memory_space<vmem>>, vector<16xi32>,
    %get3A_300 = arith.constant 784 : index
    %get3A_301 = tpu.vector_load %arg8[%get3A_300] {strides = array<i32>} : memref<1024xi32, #tpu.memory_space<vmem>>, vector<16xi32>,
    %gather3A_302 = tpu.vector_load_idx %arg6[%get3A_301] : memref<4096xi32, #tpu.memory_space<vmem>>[vector<16xi32>], vector<16xi32>,
    %gather3A_303 = tpu.vector_load_idx %arg7[%gather3A_302] : memref<1024xi32, #tpu.memory_space<vmem>>[vector<16xi32>], vector<16xi32>,
    %swap3A_304 = arith.constant 784 : index
    %swap3A_305 = tpu.vector_load %arg9[%swap3A_304] {strides = array<i32>} : memref<1024xi32, #tpu.memory_space<vmem>>, vector<16xi32>,
    tpu.vector_store %arg9[%swap3A_304], %gather3A_303 {strides = array<i32>} : memref<1024xi32, #tpu.memory_space<vmem>>, vector<16xi32>,
    %get3A_306 = arith.constant 800 : index
    %get3A_307 = tpu.vector_load %arg8[%get3A_306] {strides = array<i32>} : memref<1024xi32, #tpu.memory_space<vmem>>, vector<16xi32>,
    %gather3A_308 = tpu.vector_load_idx %arg6[%get3A_307] : memref<4096xi32, #tpu.memory_space<vmem>>[vector<16xi32>], vector<16xi32>,
    %gather3A_309 = tpu.vector_load_idx %arg7[%gather3A_308] : memref<1024xi32, #tpu.memory_space<vmem>>[vector<16xi32>], vector<16xi32>,
    %swap3A_310 = arith.constant 800 : index
    %swap3A_311 = tpu.vector_load %arg9[%swap3A_310] {strides = array<i32>} : memref<1024xi32, #tpu.memory_space<vmem>>, vector<16xi32>,
    tpu.vector_store %arg9[%swap3A_310], %gather3A_309 {strides = array<i32>} : memref<1024xi32, #tpu.memory_space<vmem>>, vector<16xi32>,
    %get3A_312 = arith.constant 816 : index
    %get3A_313 = tpu.vector_load %arg8[%get3A_312] {strides = array<i32>} : memref<1024xi32, #tpu.memory_space<vmem>>, vector<16xi32>,
    %gather3A_314 = tpu.vector_load_idx %arg6[%get3A_313] : memref<4096xi32, #tpu.memory_space<vmem>>[vector<16xi32>], vector<16xi32>,
    %gather3A_315 = tpu.vector_load_idx %arg7[%gather3A_314] : memref<1024xi32, #tpu.memory_space<vmem>>[vector<16xi32>], vector<16xi32>,
    %swap3A_316 = arith.constant 816 : index
    %swap3A_317 = tpu.vector_load %arg9[%swap3A_316] {strides = array<i32>} : memref<1024xi32, #tpu.memory_space<vmem>>, vector<16xi32>,
    tpu.vector_store %arg9[%swap3A_316], %gather3A_315 {strides = array<i32>} : memref<1024xi32, #tpu.memory_space<vmem>>, vector<16xi32>,
    %get3A_318 = arith.constant 832 : index
    %get3A_319 = tpu.vector_load %arg8[%get3A_318] {strides = array<i32>} : memref<1024xi32, #tpu.memory_space<vmem>>, vector<16xi32>,
    %gather3A_320 = tpu.vector_load_idx %arg6[%get3A_319] : memref<4096xi32, #tpu.memory_space<vmem>>[vector<16xi32>], vector<16xi32>,
    %gather3A_321 = tpu.vector_load_idx %arg7[%gather3A_320] : memref<1024xi32, #tpu.memory_space<vmem>>[vector<16xi32>], vector<16xi32>,
    %swap3A_322 = arith.constant 832 : index
    %swap3A_323 = tpu.vector_load %arg9[%swap3A_322] {strides = array<i32>} : memref<1024xi32, #tpu.memory_space<vmem>>, vector<16xi32>,
    tpu.vector_store %arg9[%swap3A_322], %gather3A_321 {strides = array<i32>} : memref<1024xi32, #tpu.memory_space<vmem>>, vector<16xi32>,
    %get3A_324 = arith.constant 848 : index
    %get3A_325 = tpu.vector_load %arg8[%get3A_324] {strides = array<i32>} : memref<1024xi32, #tpu.memory_space<vmem>>, vector<16xi32>,
    %gather3A_326 = tpu.vector_load_idx %arg6[%get3A_325] : memref<4096xi32, #tpu.memory_space<vmem>>[vector<16xi32>], vector<16xi32>,
    %gather3A_327 = tpu.vector_load_idx %arg7[%gather3A_326] : memref<1024xi32, #tpu.memory_space<vmem>>[vector<16xi32>], vector<16xi32>,
    %swap3A_328 = arith.constant 848 : index
    %swap3A_329 = tpu.vector_load %arg9[%swap3A_328] {strides = array<i32>} : memref<1024xi32, #tpu.memory_space<vmem>>, vector<16xi32>,
    tpu.vector_store %arg9[%swap3A_328], %gather3A_327 {strides = array<i32>} : memref<1024xi32, #tpu.memory_space<vmem>>, vector<16xi32>,
    %get3A_330 = arith.constant 864 : index
    %get3A_331 = tpu.vector_load %arg8[%get3A_330] {strides = array<i32>} : memref<1024xi32, #tpu.memory_space<vmem>>, vector<16xi32>,
    %gather3A_332 = tpu.vector_load_idx %arg6[%get3A_331] : memref<4096xi32, #tpu.memory_space<vmem>>[vector<16xi32>], vector<16xi32>,
    %gather3A_333 = tpu.vector_load_idx %arg7[%gather3A_332] : memref<1024xi32, #tpu.memory_space<vmem>>[vector<16xi32>], vector<16xi32>,
    %swap3A_334 = arith.constant 864 : index
    %swap3A_335 = tpu.vector_load %arg9[%swap3A_334] {strides = array<i32>} : memref<1024xi32, #tpu.memory_space<vmem>>, vector<16xi32>,
    tpu.vector_store %arg9[%swap3A_334], %gather3A_333 {strides = array<i32>} : memref<1024xi32, #tpu.memory_space<vmem>>, vector<16xi32>,
    %get3A_336 = arith.constant 880 : index
    %get3A_337 = tpu.vector_load %arg8[%get3A_336] {strides = array<i32>} : memref<1024xi32, #tpu.memory_space<vmem>>, vector<16xi32>,
    %gather3A_338 = tpu.vector_load_idx %arg6[%get3A_337] : memref<4096xi32, #tpu.memory_space<vmem>>[vector<16xi32>], vector<16xi32>,
    %gather3A_339 = tpu.vector_load_idx %arg7[%gather3A_338] : memref<1024xi32, #tpu.memory_space<vmem>>[vector<16xi32>], vector<16xi32>,
    %swap3A_340 = arith.constant 880 : index
    %swap3A_341 = tpu.vector_load %arg9[%swap3A_340] {strides = array<i32>} : memref<1024xi32, #tpu.memory_space<vmem>>, vector<16xi32>,
    tpu.vector_store %arg9[%swap3A_340], %gather3A_339 {strides = array<i32>} : memref<1024xi32, #tpu.memory_space<vmem>>, vector<16xi32>,
    %get3A_342 = arith.constant 896 : index
    %get3A_343 = tpu.vector_load %arg8[%get3A_342] {strides = array<i32>} : memref<1024xi32, #tpu.memory_space<vmem>>, vector<16xi32>,
    %gather3A_344 = tpu.vector_load_idx %arg6[%get3A_343] : memref<4096xi32, #tpu.memory_space<vmem>>[vector<16xi32>], vector<16xi32>,
    %gather3A_345 = tpu.vector_load_idx %arg7[%gather3A_344] : memref<1024xi32, #tpu.memory_space<vmem>>[vector<16xi32>], vector<16xi32>,
    %swap3A_346 = arith.constant 896 : index
    %swap3A_347 = tpu.vector_load %arg9[%swap3A_346] {strides = array<i32>} : memref<1024xi32, #tpu.memory_space<vmem>>, vector<16xi32>,
    tpu.vector_store %arg9[%swap3A_346], %gather3A_345 {strides = array<i32>} : memref<1024xi32, #tpu.memory_space<vmem>>, vector<16xi32>,
    %get3A_348 = arith.constant 912 : index
    %get3A_349 = tpu.vector_load %arg8[%get3A_348] {strides = array<i32>} : memref<1024xi32, #tpu.memory_space<vmem>>, vector<16xi32>,
    %gather3A_350 = tpu.vector_load_idx %arg6[%get3A_349] : memref<4096xi32, #tpu.memory_space<vmem>>[vector<16xi32>], vector<16xi32>,
    %gather3A_351 = tpu.vector_load_idx %arg7[%gather3A_350] : memref<1024xi32, #tpu.memory_space<vmem>>[vector<16xi32>], vector<16xi32>,
    %swap3A_352 = arith.constant 912 : index
    %swap3A_353 = tpu.vector_load %arg9[%swap3A_352] {strides = array<i32>} : memref<1024xi32, #tpu.memory_space<vmem>>, vector<16xi32>,
    tpu.vector_store %arg9[%swap3A_352], %gather3A_351 {strides = array<i32>} : memref<1024xi32, #tpu.memory_space<vmem>>, vector<16xi32>,
    %get3A_354 = arith.constant 928 : index
    %get3A_355 = tpu.vector_load %arg8[%get3A_354] {strides = array<i32>} : memref<1024xi32, #tpu.memory_space<vmem>>, vector<16xi32>,
    %gather3A_356 = tpu.vector_load_idx %arg6[%get3A_355] : memref<4096xi32, #tpu.memory_space<vmem>>[vector<16xi32>], vector<16xi32>,
    %gather3A_357 = tpu.vector_load_idx %arg7[%gather3A_356] : memref<1024xi32, #tpu.memory_space<vmem>>[vector<16xi32>], vector<16xi32>,
    %swap3A_358 = arith.constant 928 : index
    %swap3A_359 = tpu.vector_load %arg9[%swap3A_358] {strides = array<i32>} : memref<1024xi32, #tpu.memory_space<vmem>>, vector<16xi32>,
    tpu.vector_store %arg9[%swap3A_358], %gather3A_357 {strides = array<i32>} : memref<1024xi32, #tpu.memory_space<vmem>>, vector<16xi32>,
    %get3A_360 = arith.constant 944 : index
    %get3A_361 = tpu.vector_load %arg8[%get3A_360] {strides = array<i32>} : memref<1024xi32, #tpu.memory_space<vmem>>, vector<16xi32>,
    %gather3A_362 = tpu.vector_load_idx %arg6[%get3A_361] : memref<4096xi32, #tpu.memory_space<vmem>>[vector<16xi32>], vector<16xi32>,
    %gather3A_363 = tpu.vector_load_idx %arg7[%gather3A_362] : memref<1024xi32, #tpu.memory_space<vmem>>[vector<16xi32>], vector<16xi32>,
    %swap3A_364 = arith.constant 944 : index
    %swap3A_365 = tpu.vector_load %arg9[%swap3A_364] {strides = array<i32>} : memref<1024xi32, #tpu.memory_space<vmem>>, vector<16xi32>,
    tpu.vector_store %arg9[%swap3A_364], %gather3A_363 {strides = array<i32>} : memref<1024xi32, #tpu.memory_space<vmem>>, vector<16xi32>,
    %get3A_366 = arith.constant 960 : index
    %get3A_367 = tpu.vector_load %arg8[%get3A_366] {strides = array<i32>} : memref<1024xi32, #tpu.memory_space<vmem>>, vector<16xi32>,
    %gather3A_368 = tpu.vector_load_idx %arg6[%get3A_367] : memref<4096xi32, #tpu.memory_space<vmem>>[vector<16xi32>], vector<16xi32>,
    %gather3A_369 = tpu.vector_load_idx %arg7[%gather3A_368] : memref<1024xi32, #tpu.memory_space<vmem>>[vector<16xi32>], vector<16xi32>,
    %swap3A_370 = arith.constant 960 : index
    %swap3A_371 = tpu.vector_load %arg9[%swap3A_370] {strides = array<i32>} : memref<1024xi32, #tpu.memory_space<vmem>>, vector<16xi32>,
    tpu.vector_store %arg9[%swap3A_370], %gather3A_369 {strides = array<i32>} : memref<1024xi32, #tpu.memory_space<vmem>>, vector<16xi32>,
    %get3A_372 = arith.constant 976 : index
    %get3A_373 = tpu.vector_load %arg8[%get3A_372] {strides = array<i32>} : memref<1024xi32, #tpu.memory_space<vmem>>, vector<16xi32>,
    %gather3A_374 = tpu.vector_load_idx %arg6[%get3A_373] : memref<4096xi32, #tpu.memory_space<vmem>>[vector<16xi32>], vector<16xi32>,
    %gather3A_375 = tpu.vector_load_idx %arg7[%gather3A_374] : memref<1024xi32, #tpu.memory_space<vmem>>[vector<16xi32>], vector<16xi32>,
    %swap3A_376 = arith.constant 976 : index
    %swap3A_377 = tpu.vector_load %arg9[%swap3A_376] {strides = array<i32>} : memref<1024xi32, #tpu.memory_space<vmem>>, vector<16xi32>,
    tpu.vector_store %arg9[%swap3A_376], %gather3A_375 {strides = array<i32>} : memref<1024xi32, #tpu.memory_space<vmem>>, vector<16xi32>,
    %get3A_378 = arith.constant 992 : index
    %get3A_379 = tpu.vector_load %arg8[%get3A_378] {strides = array<i32>} : memref<1024xi32, #tpu.memory_space<vmem>>, vector<16xi32>,
    %gather3A_380 = tpu.vector_load_idx %arg6[%get3A_379] : memref<4096xi32, #tpu.memory_space<vmem>>[vector<16xi32>], vector<16xi32>,
    %gather3A_381 = tpu.vector_load_idx %arg7[%gather3A_380] : memref<1024xi32, #tpu.memory_space<vmem>>[vector<16xi32>], vector<16xi32>,
    %swap3A_382 = arith.constant 992 : index
    %swap3A_383 = tpu.vector_load %arg9[%swap3A_382] {strides = array<i32>} : memref<1024xi32, #tpu.memory_space<vmem>>, vector<16xi32>,
    tpu.vector_store %arg9[%swap3A_382], %gather3A_381 {strides = array<i32>} : memref<1024xi32, #tpu.memory_space<vmem>>, vector<16xi32>,
    %get3A_384 = arith.constant 1008 : index
    %get3A_385 = tpu.vector_load %arg8[%get3A_384] {strides = array<i32>} : memref<1024xi32, #tpu.memory_space<vmem>>, vector<16xi32>,
    %gather3A_386 = tpu.vector_load_idx %arg6[%get3A_385] : memref<4096xi32, #tpu.memory_space<vmem>>[vector<16xi32>], vector<16xi32>,
    %gather3A_387 = tpu.vector_load_idx %arg7[%gather3A_386] : memref<1024xi32, #tpu.memory_space<vmem>>[vector<16xi32>], vector<16xi32>,
    %swap3A_388 = arith.constant 1008 : index
    %swap3A_389 = tpu.vector_load %arg9[%swap3A_388] {strides = array<i32>} : memref<1024xi32, #tpu.memory_space<vmem>>, vector<16xi32>,
    tpu.vector_store %arg9[%swap3A_388], %gather3A_387 {strides = array<i32>} : memref<1024xi32, #tpu.memory_space<vmem>>, vector<16xi32>,
    %dma_start3A_390 = tpu.memref_slice %arg5[%mul3A_2] : memref<36864xi32, #tpu.memory_space<hbm>> -> memref<1024xi32, #tpu.memory_space<hbm>>
    %dma_start3A_391 = tpu.memref_slice %arg5[%mul3A_2] : memref<36864xi32, #tpu.memory_space<hbm>> -> memref<1024xi32, #tpu.memory_space<hbm>>
    tpu.enqueue_dma source(%arg9 : memref<1024xi32, #tpu.memory_space<vmem>>) target(%dma_start3A_391 : memref<1024xi32, #tpu.memory_space<hbm>>) target_semaphore(%arg14 : memref<!tpu.dma_semaphore, #tpu.memory_space<semaphore_mem>>)
    %dma_wait3A_392 = tpu.memref_slice %arg3[%mul3A_4] : memref<4096xi32, #tpu.memory_space<hbm>> -> memref<128xi32, #tpu.memory_space<hbm>>
    %dma_wait3A_393 = tpu.memref_slice %arg3[%mul3A_4] : memref<4096xi32, #tpu.memory_space<hbm>> -> memref<128xi32, #tpu.memory_space<hbm>>
    tpu.wait_dma2 semaphore(%arg15 : memref<!tpu.dma_semaphore, #tpu.memory_space<semaphore_mem>>) src(%dma_wait3A_393 : memref<128xi32, #tpu.memory_space<hbm>>) dst(%arg10 : memref<128xi32, #tpu.memory_space<vmem>>)
    %get3A_394 = arith.constant 0 : index
    %get3A_395 = tpu.vector_load %arg10[%get3A_394] {strides = array<i32>} : memref<128xi32, #tpu.memory_space<vmem>>, vector<16xi32>,
    %gather3A_396 = tpu.vector_load_idx %arg7[%get3A_395] : memref<1024xi32, #tpu.memory_space<vmem>>[vector<16xi32>], vector<16xi32>,
    %swap3A_397 = arith.constant 0 : index
    %swap3A_398 = tpu.vector_load %arg11[%swap3A_397] {strides = array<i32>} : memref<128xi32, #tpu.memory_space<vmem>>, vector<16xi32>,
    tpu.vector_store %arg11[%swap3A_397], %gather3A_396 {strides = array<i32>} : memref<128xi32, #tpu.memory_space<vmem>>, vector<16xi32>,
    %get3A_399 = arith.constant 16 : index
    %get3A_400 = tpu.vector_load %arg10[%get3A_399] {strides = array<i32>} : memref<128xi32, #tpu.memory_space<vmem>>, vector<16xi32>,
    %gather3A_401 = tpu.vector_load_idx %arg7[%get3A_400] : memref<1024xi32, #tpu.memory_space<vmem>>[vector<16xi32>], vector<16xi32>,
    %swap3A_402 = arith.constant 16 : index
    %swap3A_403 = tpu.vector_load %arg11[%swap3A_402] {strides = array<i32>} : memref<128xi32, #tpu.memory_space<vmem>>, vector<16xi32>,
    tpu.vector_store %arg11[%swap3A_402], %gather3A_401 {strides = array<i32>} : memref<128xi32, #tpu.memory_space<vmem>>, vector<16xi32>,
    %get3A_404 = arith.constant 32 : index
    %get3A_405 = tpu.vector_load %arg10[%get3A_404] {strides = array<i32>} : memref<128xi32, #tpu.memory_space<vmem>>, vector<16xi32>,
    %gather3A_406 = tpu.vector_load_idx %arg7[%get3A_405] : memref<1024xi32, #tpu.memory_space<vmem>>[vector<16xi32>], vector<16xi32>,
    %swap3A_407 = arith.constant 32 : index
    %swap3A_408 = tpu.vector_load %arg11[%swap3A_407] {strides = array<i32>} : memref<128xi32, #tpu.memory_space<vmem>>, vector<16xi32>,
    tpu.vector_store %arg11[%swap3A_407], %gather3A_406 {strides = array<i32>} : memref<128xi32, #tpu.memory_space<vmem>>, vector<16xi32>,
    %get3A_409 = arith.constant 48 : index
    %get3A_410 = tpu.vector_load %arg10[%get3A_409] {strides = array<i32>} : memref<128xi32, #tpu.memory_space<vmem>>, vector<16xi32>,
    %gather3A_411 = tpu.vector_load_idx %arg7[%get3A_410] : memref<1024xi32, #tpu.memory_space<vmem>>[vector<16xi32>], vector<16xi32>,
    %swap3A_412 = arith.constant 48 : index
    %swap3A_413 = tpu.vector_load %arg11[%swap3A_412] {strides = array<i32>} : memref<128xi32, #tpu.memory_space<vmem>>, vector<16xi32>,
    tpu.vector_store %arg11[%swap3A_412], %gather3A_411 {strides = array<i32>} : memref<128xi32, #tpu.memory_space<vmem>>, vector<16xi32>,
    %get3A_414 = arith.constant 64 : index
    %get3A_415 = tpu.vector_load %arg10[%get3A_414] {strides = array<i32>} : memref<128xi32, #tpu.memory_space<vmem>>, vector<16xi32>,
    %gather3A_416 = tpu.vector_load_idx %arg7[%get3A_415] : memref<1024xi32, #tpu.memory_space<vmem>>[vector<16xi32>], vector<16xi32>,
    %swap3A_417 = arith.constant 64 : index
    %swap3A_418 = tpu.vector_load %arg11[%swap3A_417] {strides = array<i32>} : memref<128xi32, #tpu.memory_space<vmem>>, vector<16xi32>,
    tpu.vector_store %arg11[%swap3A_417], %gather3A_416 {strides = array<i32>} : memref<128xi32, #tpu.memory_space<vmem>>, vector<16xi32>,
    %get3A_419 = arith.constant 80 : index
    %get3A_420 = tpu.vector_load %arg10[%get3A_419] {strides = array<i32>} : memref<128xi32, #tpu.memory_space<vmem>>, vector<16xi32>,
    %gather3A_421 = tpu.vector_load_idx %arg7[%get3A_420] : memref<1024xi32, #tpu.memory_space<vmem>>[vector<16xi32>], vector<16xi32>,
    %swap3A_422 = arith.constant 80 : index
    %swap3A_423 = tpu.vector_load %arg11[%swap3A_422] {strides = array<i32>} : memref<128xi32, #tpu.memory_space<vmem>>, vector<16xi32>,
    tpu.vector_store %arg11[%swap3A_422], %gather3A_421 {strides = array<i32>} : memref<128xi32, #tpu.memory_space<vmem>>, vector<16xi32>,
    %get3A_424 = arith.constant 96 : index
    %get3A_425 = tpu.vector_load %arg10[%get3A_424] {strides = array<i32>} : memref<128xi32, #tpu.memory_space<vmem>>, vector<16xi32>,
    %gather3A_426 = tpu.vector_load_idx %arg7[%get3A_425] : memref<1024xi32, #tpu.memory_space<vmem>>[vector<16xi32>], vector<16xi32>,
    %swap3A_427 = arith.constant 96 : index
    %swap3A_428 = tpu.vector_load %arg11[%swap3A_427] {strides = array<i32>} : memref<128xi32, #tpu.memory_space<vmem>>, vector<16xi32>,
    tpu.vector_store %arg11[%swap3A_427], %gather3A_426 {strides = array<i32>} : memref<128xi32, #tpu.memory_space<vmem>>, vector<16xi32>,
    %get3A_429 = arith.constant 112 : index
    %get3A_430 = tpu.vector_load %arg10[%get3A_429] {strides = array<i32>} : memref<128xi32, #tpu.memory_space<vmem>>, vector<16xi32>,
    %gather3A_431 = tpu.vector_load_idx %arg7[%get3A_430] : memref<1024xi32, #tpu.memory_space<vmem>>[vector<16xi32>], vector<16xi32>,
    %swap3A_432 = arith.constant 112 : index
    %swap3A_433 = tpu.vector_load %arg11[%swap3A_432] {strides = array<i32>} : memref<128xi32, #tpu.memory_space<vmem>>, vector<16xi32>,
    tpu.vector_store %arg11[%swap3A_432], %gather3A_431 {strides = array<i32>} : memref<128xi32, #tpu.memory_space<vmem>>, vector<16xi32>,
    %add3A_434 = arith.constant 32768 : i32
    %add3A_435 = arith.addi %add3A_434, %mul3A_4 : i32
    %dma_start3A_436 = tpu.memref_slice %arg5[%add3A_435] : memref<36864xi32, #tpu.memory_space<hbm>> -> memref<128xi32, #tpu.memory_space<hbm>>
    %dma_start3A_437 = tpu.memref_slice %arg5[%add3A_435] : memref<36864xi32, #tpu.memory_space<hbm>> -> memref<128xi32, #tpu.memory_space<hbm>>
    tpu.enqueue_dma source(%arg11 : memref<128xi32, #tpu.memory_space<vmem>>) target(%dma_start3A_437 : memref<128xi32, #tpu.memory_space<hbm>>) target_semaphore(%arg15 : memref<!tpu.dma_semaphore, #tpu.memory_space<semaphore_mem>>)
    %dma_wait3A_438 = tpu.memref_slice %arg5[%mul3A_2] : memref<36864xi32, #tpu.memory_space<hbm>> -> memref<1024xi32, #tpu.memory_space<hbm>>
    %dma_wait3A_439 = tpu.memref_slice %arg5[%mul3A_2] : memref<36864xi32, #tpu.memory_space<hbm>> -> memref<1024xi32, #tpu.memory_space<hbm>>
    tpu.wait_dma2 semaphore(%arg14 : memref<!tpu.dma_semaphore, #tpu.memory_space<semaphore_mem>>) src(%arg9 : memref<1024xi32, #tpu.memory_space<vmem>>) dst(%dma_wait3A_439 : memref<1024xi32, #tpu.memory_space<hbm>>)
    %dma_wait3A_440 = tpu.memref_slice %arg5[%add3A_435] : memref<36864xi32, #tpu.memory_space<hbm>> -> memref<128xi32, #tpu.memory_space<hbm>>
    %dma_wait3A_441 = tpu.memref_slice %arg5[%add3A_435] : memref<36864xi32, #tpu.memory_space<hbm>> -> memref<128xi32, #tpu.memory_space<hbm>>
    tpu.wait_dma2 semaphore(%arg15 : memref<!tpu.dma_semaphore, #tpu.memory_space<semaphore_mem>>) src(%arg11 : memref<128xi32, #tpu.memory_space<vmem>>) dst(%dma_wait3A_441 : memref<128xi32, #tpu.memory_space<hbm>>)
    return
  }
}

module attributes {stable_mosaic.version = 14 : i64} {
  func.func @_tc_body(%arg0: i32, %arg1: memref<32x32768xf32, #tpu.memory_space<vmem>>, %arg2: memref<36864xi32, #tpu.memory_space<vmem>>, %arg3: memref<1024xi32, #tpu.memory_space<vmem>>, %arg4: memref<32x1xf32, #tpu.memory_space<vmem>>, %arg5: memref<32xf32, #tpu.memory_space<vmem>>, %arg6: memref<32xf32, #tpu.memory_space<vmem>>, %arg7: memref<64x32xf32, #tpu.memory_space<vmem>>, %arg8: memref<64xf32, #tpu.memory_space<vmem>>, %arg9: memref<64xf32, #tpu.memory_space<vmem>>, %arg10: memref<128x64xf32, #tpu.memory_space<vmem>>, %arg11: memref<128xf32, #tpu.memory_space<vmem>>, %arg12: memref<128xf32, #tpu.memory_space<vmem>>, %arg13: memref<20x8192xf32, #tpu.memory_space<vmem>>, %arg14: memref<20xf32, #tpu.memory_space<vmem>>, %arg15: memref<20xf32, #tpu.memory_space<vmem>>, %arg16: memref<128x20xf32, #tpu.memory_space<vmem>>, %arg17: memref<64x32768xbf16, #tpu.memory_space<vmem>>, %arg18: memref<128x64xf32, #tpu.memory_space<vmem>>) attributes {dimension_semantics = [#tpu.dimension_semantics<arbitrary>], iteration_bounds = array<i64: 4>, scalar_prefetch = 0 : i64, scratch_operands = 2 : i64, tpu.core_type = #tpu.core_type<tc>, window_params = [{transform_indices = @transform_0, window_bounds = array<i64: 32, 32768>}, {pipeline_mode = #tpu.pipeline_mode<synchronous>, transform_indices = @transform_1, window_bounds = array<i64: 36864>}, {pipeline_mode = #tpu.pipeline_mode<synchronous>, transform_indices = @transform_2, window_bounds = array<i64: 1024>}, {pipeline_mode = #tpu.pipeline_mode<synchronous>, transform_indices = @transform_3, window_bounds = array<i64: 32, 1>}, {pipeline_mode = #tpu.pipeline_mode<synchronous>, transform_indices = @transform_4, window_bounds = array<i64: 32>}, {pipeline_mode = #tpu.pipeline_mode<synchronous>, transform_indices = @transform_5, window_bounds = array<i64: 32>}, {pipeline_mode = #tpu.pipeline_mode<synchronous>, transform_indices = @transform_6, window_bounds = array<i64: 64, 32>}, {pipeline_mode = #tpu.pipeline_mode<synchronous>, transform_indices = @transform_7, window_bounds = array<i64: 64>}, {pipeline_mode = #tpu.pipeline_mode<synchronous>, transform_indices = @transform_8, window_bounds = array<i64: 64>}, {pipeline_mode = #tpu.pipeline_mode<synchronous>, transform_indices = @transform_9, window_bounds = array<i64: 128, 64>}, {pipeline_mode = #tpu.pipeline_mode<synchronous>, transform_indices = @transform_10, window_bounds = array<i64: 128>}, {pipeline_mode = #tpu.pipeline_mode<synchronous>, transform_indices = @transform_11, window_bounds = array<i64: 128>}, {pipeline_mode = #tpu.pipeline_mode<synchronous>, transform_indices = @transform_12, window_bounds = array<i64: 20, 8192>}, {pipeline_mode = #tpu.pipeline_mode<synchronous>, transform_indices = @transform_13, window_bounds = array<i64: 20>}, {pipeline_mode = #tpu.pipeline_mode<synchronous>, transform_indices = @transform_14, window_bounds = array<i64: 20>}, {pipeline_mode = #tpu.pipeline_mode<synchronous>, transform_indices = @transform_15, window_bounds = array<i64: 128, 20>}]} {
    %eq3A = arith.constant 0 : i32
    %eq3A_0 = arith.cmpi eq, %arg0, %eq3A : i32
    %convert_element_type3A = arith.extui %eq3A_0 : i1 to i32
    %cond3A = arith.constant 0 : i32
    %cond3A_1 = arith.cmpi ne, %convert_element_type3A, %cond3A : i32
    scf.if %cond3A_1 {
      %get3A_21 = arith.constant 0 : index
      %get3A_22 = vector.load %arg2[%get3A_21] : memref<36864xi32, #tpu.memory_space<vmem>>, vector<32768xi32>
      %reshape3A = vector.shape_cast %get3A_22 : vector<32768xi32> to vector<1x32768xi32>
      %iota3A = tpu.iota {dimensions = array<i32: 0>} : vector<64x32768xi32>
      %eq3A_23 = vector.broadcast %reshape3A : vector<1x32768xi32> to vector<64x32768xi32>
      %eq3A_24 = arith.cmpi eq, %eq3A_23, %iota3A : vector<64x32768xi32>
      %convert_element_type3A_25 = arith.extui %eq3A_24 : vector<64x32768xi1> to vector<64x32768xi32>
      %convert_element_type3A_26 = arith.sitofp %convert_element_type3A_25 : vector<64x32768xi32> to vector<64x32768xf32>
      %convert_element_type3A_27 = arith.truncf %convert_element_type3A_26 : vector<64x32768xf32> to vector<64x32768xbf16>
      %swap3A_28 = arith.constant 0 : index
      %swap3A_29 = arith.constant 0 : index
      %swap3A_30 = vector.load %arg17[%swap3A_28, %swap3A_29] : memref<64x32768xbf16, #tpu.memory_space<vmem>>, vector<64x32768xbf16>
      tpu.vector_store %arg17[%swap3A_28, %swap3A_29], %convert_element_type3A_27 {strides = array<i32>} : memref<64x32768xbf16, #tpu.memory_space<vmem>>, vector<64x32768xbf16>,
    } else {
    }
    %get3A = arith.constant 0 : index
    %get3A_2 = arith.constant 0 : index
    %get3A_3 = vector.load %arg1[%get3A, %get3A_2] : memref<32x32768xf32, #tpu.memory_space<vmem>>, vector<32x32768xf32>
    %convert_element_type3A_4 = arith.truncf %get3A_3 : vector<32x32768xf32> to vector<32x32768xbf16>
    %convert_element_type3A_5 = arith.extf %convert_element_type3A_4 : vector<32x32768xbf16> to vector<32x32768xf32>
    %sub3A = arith.subf %get3A_3, %convert_element_type3A_5 : vector<32x32768xf32>
    %convert_element_type3A_6 = arith.truncf %sub3A : vector<32x32768xf32> to vector<32x32768xbf16>
    %get3A_7 = arith.constant 0 : index
    %get3A_8 = arith.constant 0 : index
    %get3A_9 = vector.load %arg17[%get3A_7, %get3A_8] : memref<64x32768xbf16, #tpu.memory_space<vmem>>, vector<64x32768xbf16>
    %dot_general3A = arith.constant dense<0.000000e+00> : vector<32x64xf32>
    %dot_general3A_10 = tpu.matmul %convert_element_type3A_4, %get3A_9, %dot_general3A {dimension_numbers = #tpu.dot_dimension_numbers<[1], [1], [0], [0], [0, 0, 1, 0], [], []>, transpose_lhs_hint = false} : vector<32x32768xbf16>, vector<64x32768xbf16>, vector<32x64xf32> -> vector<32x64xf32>
    %dot_general3A_11 = arith.constant dense<0.000000e+00> : vector<32x64xf32>
    %dot_general3A_12 = tpu.matmul %convert_element_type3A_6, %get3A_9, %dot_general3A_11 {dimension_numbers = #tpu.dot_dimension_numbers<[1], [1], [0], [0], [0, 0, 1, 0], [], []>, transpose_lhs_hint = false} : vector<32x32768xbf16>, vector<64x32768xbf16>, vector<32x64xf32> -> vector<32x64xf32>
    %add3A = arith.addf %dot_general3A_10, %dot_general3A_12 : vector<32x64xf32>
    %mul3A = arith.constant 32 : i32
    %mul3A_13 = arith.muli %arg0, %mul3A : i32
    %swap3A = arith.index_cast %mul3A_13 : i32 to index
    %swap3A_14 = arith.constant 0 : index
    %swap3A_15 = vector.load %arg18[%swap3A, %swap3A_14] : memref<128x64xf32, #tpu.memory_space<vmem>>, vector<32x64xf32>
    tpu.vector_store %arg18[%swap3A, %swap3A_14], %add3A {strides = array<i32>} : memref<128x64xf32, #tpu.memory_space<vmem>>, vector<32x64xf32>,
    %eq3A_16 = arith.constant 3 : i32
    %eq3A_17 = arith.cmpi eq, %arg0, %eq3A_16 : i32
    %convert_element_type3A_18 = arith.extui %eq3A_17 : i1 to i32
    %cond3A_19 = arith.constant 0 : i32
    %cond3A_20 = arith.cmpi ne, %convert_element_type3A_18, %cond3A_19 : i32
    scf.if %cond3A_20 {
      %get3A_21 = arith.constant 0 : index
      %get3A_22 = arith.constant 0 : index
      %get3A_23 = vector.load %arg4[%get3A_21, %get3A_22] : memref<32x1xf32, #tpu.memory_space<vmem>>, vector<32x1xf32>
      %get3A_24 = arith.constant 0 : index
      %get3A_25 = vector.load %arg5[%get3A_24] : memref<32xf32, #tpu.memory_space<vmem>>, vector<32xf32>
      %reshape3A = vector.shape_cast %get3A_25 : vector<32xf32> to vector<1x32xf32>
      %iota3A = tpu.iota {dimensions = array<i32: 0>} : vector<32x32xi32>
      %iota3A_26 = tpu.iota {dimensions = array<i32: 1>} : vector<32x32xi32>
      %eq3A_27 = arith.cmpi eq, %iota3A, %iota3A_26 : vector<32x32xi32>
      %convert_element_type3A_28 = arith.extui %eq3A_27 : vector<32x32xi1> to vector<32x32xi32>
      %convert_element_type3A_29 = arith.sitofp %convert_element_type3A_28 : vector<32x32xi32> to vector<32x32xf32>
      %dot_general3A_30 = arith.constant dense<0.000000e+00> : vector<32x1xf32>
      %dot_general3A_31 = tpu.matmul %convert_element_type3A_29, %reshape3A, %dot_general3A_30 {dimension_numbers = #tpu.dot_dimension_numbers<[1], [1], [0], [0], [0, 0, 1, 0], [], []>, transpose_lhs_hint = false} : vector<32x32xf32>, vector<1x32xf32>, vector<32x1xf32> -> vector<32x1xf32>
      %mul3A_32 = arith.mulf %get3A_23, %get3A_23 : vector<32x1xf32>
      %reduce_sum3A = arith.constant dense<0.000000e+00> : vector<32xf32>
      %reduce_sum3A_33 = vector.multi_reduction <add>, %mul3A_32, %reduce_sum3A [1] : vector<32x1xf32> to vector<32xf32>
      %broadcast_in_dim3A = vector.shape_cast %reduce_sum3A_33 : vector<32xf32> to vector<32x1xf32>
      %sqrt3A = math.sqrt %broadcast_in_dim3A : vector<32x1xf32>
      %mul3A_34 = arith.mulf %dot_general3A_31, %get3A_23 : vector<32x1xf32>
      %add3A_35 = arith.constant 9.99999996E-13 : f32
      %add3A_36 = vector.broadcast %add3A_35 : f32 to vector<32x1xf32>
      %add3A_37 = arith.addf %sqrt3A, %add3A_36 : vector<32x1xf32>
      %div3A = arith.divf %mul3A_34, %add3A_37 : vector<32x1xf32>
      %get3A_38 = arith.constant 0 : index
      %get3A_39 = arith.constant 0 : index
      %get3A_40 = vector.load %arg7[%get3A_38, %get3A_39] : memref<64x32xf32, #tpu.memory_space<vmem>>, vector<64x32xf32>
      %get3A_41 = arith.constant 0 : index
      %get3A_42 = vector.load %arg8[%get3A_41] : memref<64xf32, #tpu.memory_space<vmem>>, vector<64xf32>
      %reshape3A_43 = vector.shape_cast %get3A_42 : vector<64xf32> to vector<1x64xf32>
      %iota3A_44 = tpu.iota {dimensions = array<i32: 0>} : vector<64x64xi32>
      %iota3A_45 = tpu.iota {dimensions = array<i32: 1>} : vector<64x64xi32>
      %eq3A_46 = arith.cmpi eq, %iota3A_44, %iota3A_45 : vector<64x64xi32>
      %convert_element_type3A_47 = arith.extui %eq3A_46 : vector<64x64xi1> to vector<64x64xi32>
      %convert_element_type3A_48 = arith.sitofp %convert_element_type3A_47 : vector<64x64xi32> to vector<64x64xf32>
      %dot_general3A_49 = arith.constant dense<0.000000e+00> : vector<64x1xf32>
      %dot_general3A_50 = tpu.matmul %convert_element_type3A_48, %reshape3A_43, %dot_general3A_49 {dimension_numbers = #tpu.dot_dimension_numbers<[1], [1], [0], [0], [0, 0, 1, 0], [], []>, transpose_lhs_hint = false} : vector<64x64xf32>, vector<1x64xf32>, vector<64x1xf32> -> vector<64x1xf32>
      %mul3A_51 = arith.mulf %get3A_40, %get3A_40 : vector<64x32xf32>
      %reduce_sum3A_52 = arith.constant dense<0.000000e+00> : vector<64xf32>
      %reduce_sum3A_53 = vector.multi_reduction <add>, %mul3A_51, %reduce_sum3A_52 [1] : vector<64x32xf32> to vector<64xf32>
      %broadcast_in_dim3A_54 = vector.shape_cast %reduce_sum3A_53 : vector<64xf32> to vector<64x1xf32>
      %sqrt3A_55 = math.sqrt %broadcast_in_dim3A_54 : vector<64x1xf32>
      %mul3A_56 = vector.broadcast %dot_general3A_50 : vector<64x1xf32> to vector<64x32xf32>
      %mul3A_57 = arith.mulf %mul3A_56, %get3A_40 : vector<64x32xf32>
      %add3A_58 = arith.constant 9.99999996E-13 : f32
      %add3A_59 = vector.broadcast %add3A_58 : f32 to vector<64x1xf32>
      %add3A_60 = arith.addf %sqrt3A_55, %add3A_59 : vector<64x1xf32>
      %div3A_61 = vector.broadcast %add3A_60 : vector<64x1xf32> to vector<64x32xf32>
      %div3A_62 = arith.divf %mul3A_57, %div3A_61 : vector<64x32xf32>
      %get3A_63 = arith.constant 0 : index
      %get3A_64 = arith.constant 0 : index
      %get3A_65 = vector.load %arg10[%get3A_63, %get3A_64] : memref<128x64xf32, #tpu.memory_space<vmem>>, vector<128x64xf32>
      %get3A_66 = arith.constant 0 : index
      %get3A_67 = vector.load %arg11[%get3A_66] : memref<128xf32, #tpu.memory_space<vmem>>, vector<128xf32>
      %reshape3A_68 = vector.shape_cast %get3A_67 : vector<128xf32> to vector<1x128xf32>
      %iota3A_69 = tpu.iota {dimensions = array<i32: 0>} : vector<128x128xi32>
      %iota3A_70 = tpu.iota {dimensions = array<i32: 1>} : vector<128x128xi32>
      %eq3A_71 = arith.cmpi eq, %iota3A_69, %iota3A_70 : vector<128x128xi32>
      %convert_element_type3A_72 = arith.extui %eq3A_71 : vector<128x128xi1> to vector<128x128xi32>
      %convert_element_type3A_73 = arith.sitofp %convert_element_type3A_72 : vector<128x128xi32> to vector<128x128xf32>
      %dot_general3A_74 = arith.constant dense<0.000000e+00> : vector<128x1xf32>
      %dot_general3A_75 = tpu.matmul %convert_element_type3A_73, %reshape3A_68, %dot_general3A_74 {dimension_numbers = #tpu.dot_dimension_numbers<[1], [1], [0], [0], [0, 0, 1, 0], [], []>, transpose_lhs_hint = false} : vector<128x128xf32>, vector<1x128xf32>, vector<128x1xf32> -> vector<128x1xf32>
      %mul3A_76 = arith.mulf %get3A_65, %get3A_65 : vector<128x64xf32>
      %reduce_sum3A_77 = arith.constant dense<0.000000e+00> : vector<128xf32>
      %reduce_sum3A_78 = vector.multi_reduction <add>, %mul3A_76, %reduce_sum3A_77 [1] : vector<128x64xf32> to vector<128xf32>
      %broadcast_in_dim3A_79 = vector.shape_cast %reduce_sum3A_78 : vector<128xf32> to vector<128x1xf32>
      %sqrt3A_80 = math.sqrt %broadcast_in_dim3A_79 : vector<128x1xf32>
      %mul3A_81 = vector.broadcast %dot_general3A_75 : vector<128x1xf32> to vector<128x64xf32>
      %mul3A_82 = arith.mulf %mul3A_81, %get3A_65 : vector<128x64xf32>
      %add3A_83 = arith.constant 9.99999996E-13 : f32
      %add3A_84 = vector.broadcast %add3A_83 : f32 to vector<128x1xf32>
      %add3A_85 = arith.addf %sqrt3A_80, %add3A_84 : vector<128x1xf32>
      %div3A_86 = vector.broadcast %add3A_85 : vector<128x1xf32> to vector<128x64xf32>
      %div3A_87 = arith.divf %mul3A_82, %div3A_86 : vector<128x64xf32>
      %get3A_88 = arith.constant 0 : index
      %get3A_89 = arith.constant 0 : index
      %get3A_90 = vector.load %arg13[%get3A_88, %get3A_89] : memref<20x8192xf32, #tpu.memory_space<vmem>>, vector<20x8192xf32>
      %get3A_91 = arith.constant 0 : index
      %get3A_92 = vector.load %arg14[%get3A_91] : memref<20xf32, #tpu.memory_space<vmem>>, vector<20xf32>
      %reshape3A_93 = vector.shape_cast %get3A_92 : vector<20xf32> to vector<1x20xf32>
      %iota3A_94 = tpu.iota {dimensions = array<i32: 0>} : vector<20x20xi32>
      %iota3A_95 = tpu.iota {dimensions = array<i32: 1>} : vector<20x20xi32>
      %eq3A_96 = arith.cmpi eq, %iota3A_94, %iota3A_95 : vector<20x20xi32>
      %convert_element_type3A_97 = arith.extui %eq3A_96 : vector<20x20xi1> to vector<20x20xi32>
      %convert_element_type3A_98 = arith.sitofp %convert_element_type3A_97 : vector<20x20xi32> to vector<20x20xf32>
      %dot_general3A_99 = arith.constant dense<0.000000e+00> : vector<20x1xf32>
      %dot_general3A_100 = tpu.matmul %convert_element_type3A_98, %reshape3A_93, %dot_general3A_99 {dimension_numbers = #tpu.dot_dimension_numbers<[1], [1], [0], [0], [0, 0, 1, 0], [], []>, transpose_lhs_hint = false} : vector<20x20xf32>, vector<1x20xf32>, vector<20x1xf32> -> vector<20x1xf32>
      %mul3A_101 = arith.mulf %get3A_90, %get3A_90 : vector<20x8192xf32>
      %reduce_sum3A_102 = arith.constant dense<0.000000e+00> : vector<20xf32>
      %reduce_sum3A_103 = vector.multi_reduction <add>, %mul3A_101, %reduce_sum3A_102 [1] : vector<20x8192xf32> to vector<20xf32>
      %broadcast_in_dim3A_104 = vector.shape_cast %reduce_sum3A_103 : vector<20xf32> to vector<20x1xf32>
      %sqrt3A_105 = math.sqrt %broadcast_in_dim3A_104 : vector<20x1xf32>
      %mul3A_106 = vector.broadcast %dot_general3A_100 : vector<20x1xf32> to vector<20x8192xf32>
      %mul3A_107 = arith.mulf %mul3A_106, %get3A_90 : vector<20x8192xf32>
      %add3A_108 = arith.constant 9.99999996E-13 : f32
      %add3A_109 = vector.broadcast %add3A_108 : f32 to vector<20x1xf32>
      %add3A_110 = arith.addf %sqrt3A_105, %add3A_109 : vector<20x1xf32>
      %div3A_111 = vector.broadcast %add3A_110 : vector<20x1xf32> to vector<20x8192xf32>
      %div3A_112 = arith.divf %mul3A_107, %div3A_111 : vector<20x8192xf32>
      %get3A_113 = arith.constant 0 : index
      %get3A_114 = vector.load %arg6[%get3A_113] : memref<32xf32, #tpu.memory_space<vmem>>, vector<32xf32>
      %reshape3A_115 = vector.shape_cast %get3A_114 : vector<32xf32> to vector<1x32xf32>
      %iota3A_116 = tpu.iota {dimensions = array<i32: 0>} : vector<32x32xi32>
      %iota3A_117 = tpu.iota {dimensions = array<i32: 1>} : vector<32x32xi32>
      %eq3A_118 = arith.cmpi eq, %iota3A_116, %iota3A_117 : vector<32x32xi32>
      %convert_element_type3A_119 = arith.extui %eq3A_118 : vector<32x32xi1> to vector<32x32xi32>
      %convert_element_type3A_120 = arith.sitofp %convert_element_type3A_119 : vector<32x32xi32> to vector<32x32xf32>
      %dot_general3A_121 = arith.constant dense<0.000000e+00> : vector<32x1xf32>
      %dot_general3A_122 = tpu.matmul %convert_element_type3A_120, %reshape3A_115, %dot_general3A_121 {dimension_numbers = #tpu.dot_dimension_numbers<[1], [1], [0], [0], [0, 0, 1, 0], [], []>, transpose_lhs_hint = false} : vector<32x32xf32>, vector<1x32xf32>, vector<32x1xf32> -> vector<32x1xf32>
      %get3A_123 = arith.constant 0 : index
      %get3A_124 = vector.load %arg9[%get3A_123] : memref<64xf32, #tpu.memory_space<vmem>>, vector<64xf32>
      %reshape3A_125 = vector.shape_cast %get3A_124 : vector<64xf32> to vector<1x64xf32>
      %iota3A_126 = tpu.iota {dimensions = array<i32: 0>} : vector<64x64xi32>
      %iota3A_127 = tpu.iota {dimensions = array<i32: 1>} : vector<64x64xi32>
      %eq3A_128 = arith.cmpi eq, %iota3A_126, %iota3A_127 : vector<64x64xi32>
      %convert_element_type3A_129 = arith.extui %eq3A_128 : vector<64x64xi1> to vector<64x64xi32>
      %convert_element_type3A_130 = arith.sitofp %convert_element_type3A_129 : vector<64x64xi32> to vector<64x64xf32>
      %dot_general3A_131 = arith.constant dense<0.000000e+00> : vector<64x1xf32>
      %dot_general3A_132 = tpu.matmul %convert_element_type3A_130, %reshape3A_125, %dot_general3A_131 {dimension_numbers = #tpu.dot_dimension_numbers<[1], [1], [0], [0], [0, 0, 1, 0], [], []>, transpose_lhs_hint = false} : vector<64x64xf32>, vector<1x64xf32>, vector<64x1xf32> -> vector<64x1xf32>
      %get3A_133 = arith.constant 0 : index
      %get3A_134 = vector.load %arg12[%get3A_133] : memref<128xf32, #tpu.memory_space<vmem>>, vector<128xf32>
      %reshape3A_135 = vector.shape_cast %get3A_134 : vector<128xf32> to vector<1x128xf32>
      %iota3A_136 = tpu.iota {dimensions = array<i32: 0>} : vector<128x128xi32>
      %iota3A_137 = tpu.iota {dimensions = array<i32: 1>} : vector<128x128xi32>
      %eq3A_138 = arith.cmpi eq, %iota3A_136, %iota3A_137 : vector<128x128xi32>
      %convert_element_type3A_139 = arith.extui %eq3A_138 : vector<128x128xi1> to vector<128x128xi32>
      %convert_element_type3A_140 = arith.sitofp %convert_element_type3A_139 : vector<128x128xi32> to vector<128x128xf32>
      %dot_general3A_141 = arith.constant dense<0.000000e+00> : vector<128x1xf32>
      %dot_general3A_142 = tpu.matmul %convert_element_type3A_140, %reshape3A_135, %dot_general3A_141 {dimension_numbers = #tpu.dot_dimension_numbers<[1], [1], [0], [0], [0, 0, 1, 0], [], []>, transpose_lhs_hint = false} : vector<128x128xf32>, vector<1x128xf32>, vector<128x1xf32> -> vector<128x1xf32>
      %dot_general3A_143 = arith.constant dense<0.000000e+00> : vector<64x1xf32>
      %dot_general3A_144 = tpu.matmul %div3A_62, %div3A, %dot_general3A_143 {dimension_numbers = #tpu.dot_dimension_numbers<[1], [0], [0], [1], [0, 0, 1, 1], [], []>, transpose_lhs_hint = false} : vector<64x32xf32>, vector<32x1xf32>, vector<64x1xf32> -> vector<64x1xf32>
      %dot_general3A_145 = arith.constant dense<0.000000e+00> : vector<128x1xf32>
      %dot_general3A_146 = tpu.matmul %div3A_87, %dot_general3A_144, %dot_general3A_145 {dimension_numbers = #tpu.dot_dimension_numbers<[1], [0], [0], [1], [0, 0, 1, 1], [], []>, transpose_lhs_hint = false} : vector<128x64xf32>, vector<64x1xf32>, vector<128x1xf32> -> vector<128x1xf32>
      %dot_general3A_147 = arith.constant dense<0.000000e+00> : vector<64x1xf32>
      %dot_general3A_148 = tpu.matmul %div3A_62, %dot_general3A_122, %dot_general3A_147 {dimension_numbers = #tpu.dot_dimension_numbers<[1], [0], [0], [1], [0, 0, 1, 1], [], []>, transpose_lhs_hint = false} : vector<64x32xf32>, vector<32x1xf32>, vector<64x1xf32> -> vector<64x1xf32>
      %dot_general3A_149 = arith.constant dense<0.000000e+00> : vector<128x1xf32>
      %dot_general3A_150 = tpu.matmul %div3A_87, %dot_general3A_148, %dot_general3A_149 {dimension_numbers = #tpu.dot_dimension_numbers<[1], [0], [0], [1], [0, 0, 1, 1], [], []>, transpose_lhs_hint = false} : vector<128x64xf32>, vector<64x1xf32>, vector<128x1xf32> -> vector<128x1xf32>
      %dot_general3A_151 = arith.constant dense<0.000000e+00> : vector<128x1xf32>
      %dot_general3A_152 = tpu.matmul %div3A_87, %dot_general3A_132, %dot_general3A_151 {dimension_numbers = #tpu.dot_dimension_numbers<[1], [0], [0], [1], [0, 0, 1, 1], [], []>, transpose_lhs_hint = false} : vector<128x64xf32>, vector<64x1xf32>, vector<128x1xf32> -> vector<128x1xf32>
      %concatenate3A = tpu.concatenate %dot_general3A_146, %dot_general3A_150, %dot_general3A_152, %dot_general3A_142 in 1 : vector<128x1xf32>, vector<128x1xf32>, vector<128x1xf32>, vector<128x1xf32> -> vector<128x4xf32>
      %iota3A_153 = tpu.iota {dimensions = array<i32: 0>} : vector<128x128xi32>
      %iota3A_154 = tpu.iota {dimensions = array<i32: 1>} : vector<128x128xi32>
      %eq3A_155 = arith.cmpi eq, %iota3A_153, %iota3A_154 : vector<128x128xi32>
      %convert_element_type3A_156 = arith.extui %eq3A_155 : vector<128x128xi1> to vector<128x128xi32>
      %convert_element_type3A_157 = arith.sitofp %convert_element_type3A_156 : vector<128x128xi32> to vector<128x128xf32>
      %dot_general3A_158 = arith.constant dense<0.000000e+00> : vector<4x128xf32>
      %dot_general3A_159 = tpu.matmul %concatenate3A, %convert_element_type3A_157, %dot_general3A_158 {dimension_numbers = #tpu.dot_dimension_numbers<[0], [0], [1], [1], [0, 1, 1, 1], [], []>, transpose_lhs_hint = false} : vector<128x4xf32>, vector<128x128xf32>, vector<4x128xf32> -> vector<4x128xf32>
      %iota3A_160 = tpu.iota {dimensions = array<i32: 0>} : vector<128x8192xi32>
      %iota3A_161 = tpu.iota {dimensions = array<i32: 1>} : vector<128x8192xi32>
      %jit3A = arith.constant 64 : i32
      %div3A_162 = vector.broadcast %jit3A : i32 to vector<128x8192xi32>
      %div3A_163 = arith.divsi %iota3A_161, %div3A_162 : vector<128x8192xi32>
      %sign3A = arith.constant 0 : i32
      %sign3A_164 = vector.broadcast %sign3A : i32 to vector<128x8192xi32>
      %sign3A_165 = arith.cmpi sgt, %iota3A_161, %sign3A_164 : vector<128x8192xi32>
      %sign3A_166 = arith.extui %sign3A_165 : vector<128x8192xi1> to vector<128x8192xi32>
      %sign3A_167 = arith.constant 0 : i32
      %sign3A_168 = vector.broadcast %sign3A_167 : i32 to vector<128x8192xi32>
      %sign3A_169 = arith.cmpi slt, %iota3A_161, %sign3A_168 : vector<128x8192xi32>
      %sign3A_170 = arith.extui %sign3A_169 : vector<128x8192xi1> to vector<128x8192xi32>
      %sign3A_171 = arith.subi %sign3A_166, %sign3A_170 : vector<128x8192xi32>
      %sign3A_172 = arith.constant 0 : i32
      %sign3A_173 = arith.cmpi sgt, %jit3A, %sign3A_172 : i32
      %sign3A_174 = arith.extui %sign3A_173 : i1 to i32
      %sign3A_175 = arith.constant 0 : i32
      %sign3A_176 = arith.cmpi slt, %jit3A, %sign3A_175 : i32
      %sign3A_177 = arith.extui %sign3A_176 : i1 to i32
      %sign3A_178 = arith.subi %sign3A_174, %sign3A_177 : i32
      %ne3A = vector.broadcast %sign3A_178 : i32 to vector<128x8192xi32>
      %ne3A_179 = arith.cmpi ne, %sign3A_171, %ne3A : vector<128x8192xi32>
      %rem3A = vector.broadcast %jit3A : i32 to vector<128x8192xi32>
      %rem3A_180 = arith.remsi %iota3A_161, %rem3A : vector<128x8192xi32>
      %ne3A_181 = arith.constant 0 : i32
      %ne3A_182 = vector.broadcast %ne3A_181 : i32 to vector<128x8192xi32>
      %ne3A_183 = arith.cmpi ne, %rem3A_180, %ne3A_182 : vector<128x8192xi32>
      %and3A = arith.andi %ne3A_179, %ne3A_183 : vector<128x8192xi1>
      %sub3A_184 = arith.constant 1 : i32
      %sub3A_185 = vector.broadcast %sub3A_184 : i32 to vector<128x8192xi32>
      %sub3A_186 = arith.subi %div3A_163, %sub3A_185 : vector<128x8192xi32>
      %select_n3A = arith.select %and3A, %sub3A_186, %div3A_163 : vector<128x8192xi1>, vector<128x8192xi32>
      %eq3A_187 = arith.cmpi eq, %iota3A_160, %select_n3A : vector<128x8192xi32>
      %convert_element_type3A_188 = arith.extui %eq3A_187 : vector<128x8192xi1> to vector<128x8192xi32>
      %convert_element_type3A_189 = arith.sitofp %convert_element_type3A_188 : vector<128x8192xi32> to vector<128x8192xf32>
      %iota3A_190 = tpu.iota {dimensions = array<i32: 0>} : vector<64x8192xi32>
      %iota3A_191 = tpu.iota {dimensions = array<i32: 1>} : vector<64x8192xi32>
      %jit3A_192 = arith.constant 64 : i32
      %eq3A_193 = arith.constant 0 : i32
      %eq3A_194 = arith.cmpi eq, %jit3A_192, %eq3A_193 : i32
      %jit3A_195 = arith.constant 1 : i32
      %select_n3A_196 = arith.select %eq3A_194, %jit3A_195, %jit3A_192 : i32
      %rem3A_197 = vector.broadcast %select_n3A_196 : i32 to vector<64x8192xi32>
      %rem3A_198 = arith.remsi %iota3A_191, %rem3A_197 : vector<64x8192xi32>
      %ne3A_199 = arith.constant 0 : i32
      %ne3A_200 = vector.broadcast %ne3A_199 : i32 to vector<64x8192xi32>
      %ne3A_201 = arith.cmpi ne, %rem3A_198, %ne3A_200 : vector<64x8192xi32>
      %lt3A = arith.constant 0 : i32
      %lt3A_202 = vector.broadcast %lt3A : i32 to vector<64x8192xi32>
      %lt3A_203 = arith.cmpi slt, %rem3A_198, %lt3A_202 : vector<64x8192xi32>
      %lt3A_204 = arith.constant 0 : i32
      %lt3A_205 = arith.cmpi slt, %select_n3A_196, %lt3A_204 : i32
      %ne3A_206 = vector.broadcast %lt3A_205 : i1 to vector<64x8192xi1>
      %ne3A_207 = vector.broadcast %ne3A_206 : vector<64x8192xi1> to vector<64x8192xi1>
      %ne3A_208 = arith.xori %lt3A_203, %ne3A_207 : vector<64x8192xi1>
      %and3A_209 = arith.andi %ne3A_208, %ne3A_201 : vector<64x8192xi1>
      %add3A_210 = vector.broadcast %select_n3A_196 : i32 to vector<64x8192xi32>
      %add3A_211 = arith.addi %rem3A_198, %add3A_210 : vector<64x8192xi32>
      %select_n3A_212 = arith.select %and3A_209, %add3A_211, %rem3A_198 : vector<64x8192xi1>, vector<64x8192xi32>
      %eq3A_213 = arith.cmpi eq, %iota3A_190, %select_n3A_212 : vector<64x8192xi32>
      %convert_element_type3A_214 = arith.extui %eq3A_213 : vector<64x8192xi1> to vector<64x8192xi32>
      %convert_element_type3A_215 = arith.sitofp %convert_element_type3A_214 : vector<64x8192xi32> to vector<64x8192xf32>
      %dot_general3A_216 = arith.constant dense<0.000000e+00> : vector<4x8192xf32>
      %dot_general3A_217 = tpu.matmul %dot_general3A_159, %convert_element_type3A_189, %dot_general3A_216 {dimension_numbers = #tpu.dot_dimension_numbers<[1], [0], [0], [1], [0, 0, 1, 1], [], []>, transpose_lhs_hint = false} : vector<4x128xf32>, vector<128x8192xf32>, vector<4x8192xf32> -> vector<4x8192xf32>
      %slice3A = vector.extract_strided_slice %dot_general3A_217 {offsets = [0, 0], sizes = [1, 8192], strides = [1, 1]} : vector<4x8192xf32> to vector<1x8192xf32>
      %mul3A_218 = vector.broadcast %slice3A : vector<1x8192xf32> to vector<20x8192xf32>
      %mul3A_219 = arith.mulf %div3A_112, %mul3A_218 : vector<20x8192xf32>
      %dot_general3A_220 = arith.constant dense<0.000000e+00> : vector<20x64xf32>
      %dot_general3A_221 = tpu.matmul %mul3A_219, %convert_element_type3A_215, %dot_general3A_220 {dimension_numbers = #tpu.dot_dimension_numbers<[1], [1], [0], [0], [0, 0, 1, 0], [], []>, transpose_lhs_hint = false} : vector<20x8192xf32>, vector<64x8192xf32>, vector<20x64xf32> -> vector<20x64xf32>
      %get3A_222 = arith.constant 32768 : index
      %get3A_223 = vector.load %arg2[%get3A_222] : memref<36864xi32, #tpu.memory_space<vmem>>, vector<4096xi32>
      %reshape3A_224 = vector.shape_cast %get3A_223 : vector<4096xi32> to vector<1x4096xi32>
      %iota3A_225 = tpu.iota {dimensions = array<i32: 0>} : vector<64x4096xi32>
      %eq3A_226 = vector.broadcast %reshape3A_224 : vector<1x4096xi32> to vector<64x4096xi32>
      %eq3A_227 = arith.cmpi eq, %eq3A_226, %iota3A_225 : vector<64x4096xi32>
      %convert_element_type3A_228 = arith.extui %eq3A_227 : vector<64x4096xi1> to vector<64x4096xi32>
      %convert_element_type3A_229 = arith.sitofp %convert_element_type3A_228 : vector<64x4096xi32> to vector<64x4096xf32>
      %reduce_sum3A_230 = arith.constant dense<0.000000e+00> : vector<64xf32>
      %reduce_sum3A_231 = vector.multi_reduction <add>, %convert_element_type3A_229, %reduce_sum3A_230 [1] : vector<64x4096xf32> to vector<64xf32>
      %broadcast_in_dim3A_232 = vector.shape_cast %reduce_sum3A_231 : vector<64xf32> to vector<64x1xf32>
      %get3A_233 = arith.constant 0 : index
      %get3A_234 = vector.load %arg3[%get3A_233] : memref<1024xi32, #tpu.memory_space<vmem>>, vector<1024xi32>
      %reshape3A_235 = vector.shape_cast %get3A_234 : vector<1024xi32> to vector<1x1024xi32>
      %iota3A_236 = tpu.iota {dimensions = array<i32: 0>} : vector<64x1024xi32>
      %eq3A_237 = vector.broadcast %reshape3A_235 : vector<1x1024xi32> to vector<64x1024xi32>
      %eq3A_238 = arith.cmpi eq, %eq3A_237, %iota3A_236 : vector<64x1024xi32>
      %convert_element_type3A_239 = arith.extui %eq3A_238 : vector<64x1024xi1> to vector<64x1024xi32>
      %convert_element_type3A_240 = arith.sitofp %convert_element_type3A_239 : vector<64x1024xi32> to vector<64x1024xf32>
      %reduce_sum3A_241 = arith.constant dense<0.000000e+00> : vector<64xf32>
      %reduce_sum3A_242 = vector.multi_reduction <add>, %convert_element_type3A_240, %reduce_sum3A_241 [1] : vector<64x1024xf32> to vector<64xf32>
      %broadcast_in_dim3A_243 = vector.shape_cast %reduce_sum3A_242 : vector<64xf32> to vector<64x1xf32>
      %iota3A_244 = tpu.iota {dimensions = array<i32: 0>} : vector<64x64xi32>
      %iota3A_245 = tpu.iota {dimensions = array<i32: 1>} : vector<64x64xi32>
      %eq3A_246 = arith.cmpi eq, %iota3A_244, %iota3A_245 : vector<64x64xi32>
      %convert_element_type3A_247 = arith.extui %eq3A_246 : vector<64x64xi1> to vector<64x64xi32>
      %convert_element_type3A_248 = arith.sitofp %convert_element_type3A_247 : vector<64x64xi32> to vector<64x64xf32>
      %dot_general3A_249 = arith.constant dense<0.000000e+00> : vector<1x64xf32>
      %dot_general3A_250 = tpu.matmul %broadcast_in_dim3A_232, %convert_element_type3A_248, %dot_general3A_249 {dimension_numbers = #tpu.dot_dimension_numbers<[0], [0], [1], [1], [0, 1, 1, 1], [], []>, transpose_lhs_hint = false} : vector<64x1xf32>, vector<64x64xf32>, vector<1x64xf32> -> vector<1x64xf32>
      %iota3A_251 = tpu.iota {dimensions = array<i32: 0>} : vector<64x64xi32>
      %iota3A_252 = tpu.iota {dimensions = array<i32: 1>} : vector<64x64xi32>
      %eq3A_253 = arith.cmpi eq, %iota3A_251, %iota3A_252 : vector<64x64xi32>
      %convert_element_type3A_254 = arith.extui %eq3A_253 : vector<64x64xi1> to vector<64x64xi32>
      %convert_element_type3A_255 = arith.sitofp %convert_element_type3A_254 : vector<64x64xi32> to vector<64x64xf32>
      %dot_general3A_256 = arith.constant dense<0.000000e+00> : vector<1x64xf32>
      %dot_general3A_257 = tpu.matmul %broadcast_in_dim3A_243, %convert_element_type3A_255, %dot_general3A_256 {dimension_numbers = #tpu.dot_dimension_numbers<[0], [0], [1], [1], [0, 1, 1, 1], [], []>, transpose_lhs_hint = false} : vector<64x1xf32>, vector<64x64xf32>, vector<1x64xf32> -> vector<1x64xf32>
      %dot_general3A_258 = arith.constant dense<0.000000e+00> : vector<1x8192xf32>
      %dot_general3A_259 = tpu.matmul %dot_general3A_250, %convert_element_type3A_215, %dot_general3A_258 {dimension_numbers = #tpu.dot_dimension_numbers<[1], [0], [0], [1], [0, 0, 1, 1], [], []>, transpose_lhs_hint = false} : vector<1x64xf32>, vector<64x8192xf32>, vector<1x8192xf32> -> vector<1x8192xf32>
      %dot_general3A_260 = arith.constant dense<0.000000e+00> : vector<1x8192xf32>
      %dot_general3A_261 = tpu.matmul %dot_general3A_257, %convert_element_type3A_215, %dot_general3A_260 {dimension_numbers = #tpu.dot_dimension_numbers<[1], [0], [0], [1], [0, 0, 1, 1], [], []>, transpose_lhs_hint = false} : vector<1x64xf32>, vector<64x8192xf32>, vector<1x8192xf32> -> vector<1x8192xf32>
      %slice3A_262 = vector.extract_strided_slice %dot_general3A_217 {offsets = [1, 0], sizes = [1, 8192], strides = [1, 1]} : vector<4x8192xf32> to vector<1x8192xf32>
      %mul3A_263 = arith.mulf %slice3A_262, %dot_general3A_259 : vector<1x8192xf32>
      %slice3A_264 = vector.extract_strided_slice %dot_general3A_217 {offsets = [2, 0], sizes = [1, 8192], strides = [1, 1]} : vector<4x8192xf32> to vector<1x8192xf32>
      %mul3A_265 = arith.mulf %slice3A_264, %dot_general3A_261 : vector<1x8192xf32>
      %add3A_266 = arith.addf %mul3A_263, %mul3A_265 : vector<1x8192xf32>
      %slice3A_267 = vector.extract_strided_slice %dot_general3A_217 {offsets = [3, 0], sizes = [1, 8192], strides = [1, 1]} : vector<4x8192xf32> to vector<1x8192xf32>
      %add3A_268 = arith.addf %add3A_266, %slice3A_267 : vector<1x8192xf32>
      %dot_general3A_269 = arith.constant dense<0.000000e+00> : vector<1x20xf32>
      %dot_general3A_270 = tpu.matmul %add3A_268, %div3A_112, %dot_general3A_269 {dimension_numbers = #tpu.dot_dimension_numbers<[1], [1], [0], [0], [0, 0, 1, 0], [], []>, transpose_lhs_hint = false} : vector<1x8192xf32>, vector<20x8192xf32>, vector<1x20xf32> -> vector<1x20xf32>
      %get3A_271 = arith.constant 0 : index
      %get3A_272 = arith.constant 0 : index
      %get3A_273 = vector.load %arg18[%get3A_271, %get3A_272] : memref<128x64xf32, #tpu.memory_space<vmem>>, vector<128x64xf32>
      %dot_general3A_274 = arith.constant dense<0.000000e+00> : vector<128x20xf32>
      %dot_general3A_275 = tpu.matmul %get3A_273, %dot_general3A_221, %dot_general3A_274 {dimension_numbers = #tpu.dot_dimension_numbers<[1], [1], [0], [0], [0, 0, 1, 0], [], []>, transpose_lhs_hint = false} : vector<128x64xf32>, vector<20x64xf32>, vector<128x20xf32> -> vector<128x20xf32>
      %add3A_276 = vector.broadcast %dot_general3A_270 : vector<1x20xf32> to vector<128x20xf32>
      %add3A_277 = arith.addf %dot_general3A_275, %add3A_276 : vector<128x20xf32>
      %get3A_278 = arith.constant 0 : index
      %get3A_279 = vector.load %arg15[%get3A_278] : memref<20xf32, #tpu.memory_space<vmem>>, vector<20xf32>
      %reshape3A_280 = vector.shape_cast %get3A_279 : vector<20xf32> to vector<1x20xf32>
      %add3A_281 = vector.broadcast %reshape3A_280 : vector<1x20xf32> to vector<128x20xf32>
      %add3A_282 = arith.addf %add3A_277, %add3A_281 : vector<128x20xf32>
      %swap3A_283 = arith.constant 0 : index
      %swap3A_284 = arith.constant 0 : index
      %swap3A_285 = vector.load %arg16[%swap3A_283, %swap3A_284] : memref<128x20xf32, #tpu.memory_space<vmem>>, vector<128x20xf32>
      tpu.vector_store %arg16[%swap3A_283, %swap3A_284], %add3A_282 {strides = array<i32>} : memref<128x20xf32, #tpu.memory_space<vmem>>, vector<128x20xf32>,
    } else {
    }
    return
  }
  func.func @transform_0(%arg0: i32) -> (i32, i32) {
    %c0_i32 = arith.constant 0 : i32
    %c0_i32_0 = arith.constant 0 : i32
    return %arg0, %c0_i32 : i32, i32
  }
  func.func @transform_1(%arg0: i32) -> i32 {
    %c0_i32 = arith.constant 0 : i32
    %c0_i32_0 = arith.constant 0 : i32
    return %c0_i32 : i32
  }
  func.func @transform_2(%arg0: i32) -> i32 {
    %c0_i32 = arith.constant 0 : i32
    %c0_i32_0 = arith.constant 0 : i32
    return %c0_i32 : i32
  }
  func.func @transform_3(%arg0: i32) -> (i32, i32) {
    %c0_i32 = arith.constant 0 : i32
    %c0_i32_0 = arith.constant 0 : i32
    %c0_i32_1 = arith.constant 0 : i32
    return %c0_i32, %c0_i32_0 : i32, i32
  }
  func.func @transform_4(%arg0: i32) -> i32 {
    %c0_i32 = arith.constant 0 : i32
    %c0_i32_0 = arith.constant 0 : i32
    return %c0_i32 : i32
  }
  func.func @transform_5(%arg0: i32) -> i32 {
    %c0_i32 = arith.constant 0 : i32
    %c0_i32_0 = arith.constant 0 : i32
    return %c0_i32 : i32
  }
  func.func @transform_6(%arg0: i32) -> (i32, i32) {
    %c0_i32 = arith.constant 0 : i32
    %c0_i32_0 = arith.constant 0 : i32
    %c0_i32_1 = arith.constant 0 : i32
    return %c0_i32, %c0_i32_0 : i32, i32
  }
  func.func @transform_7(%arg0: i32) -> i32 {
    %c0_i32 = arith.constant 0 : i32
    %c0_i32_0 = arith.constant 0 : i32
    return %c0_i32 : i32
  }
  func.func @transform_8(%arg0: i32) -> i32 {
    %c0_i32 = arith.constant 0 : i32
    %c0_i32_0 = arith.constant 0 : i32
    return %c0_i32 : i32
  }
  func.func @transform_9(%arg0: i32) -> (i32, i32) {
    %c0_i32 = arith.constant 0 : i32
    %c0_i32_0 = arith.constant 0 : i32
    %c0_i32_1 = arith.constant 0 : i32
    return %c0_i32, %c0_i32_0 : i32, i32
  }
  func.func @transform_10(%arg0: i32) -> i32 {
    %c0_i32 = arith.constant 0 : i32
    %c0_i32_0 = arith.constant 0 : i32
    return %c0_i32 : i32
  }
  func.func @transform_11(%arg0: i32) -> i32 {
    %c0_i32 = arith.constant 0 : i32
    %c0_i32_0 = arith.constant 0 : i32
    return %c0_i32 : i32
  }
  func.func @transform_12(%arg0: i32) -> (i32, i32) {
    %c0_i32 = arith.constant 0 : i32
    %c0_i32_0 = arith.constant 0 : i32
    %c0_i32_1 = arith.constant 0 : i32
    return %c0_i32, %c0_i32_0 : i32, i32
  }
  func.func @transform_13(%arg0: i32) -> i32 {
    %c0_i32 = arith.constant 0 : i32
    %c0_i32_0 = arith.constant 0 : i32
    return %c0_i32 : i32
  }
  func.func @transform_14(%arg0: i32) -> i32 {
    %c0_i32 = arith.constant 0 : i32
    %c0_i32_0 = arith.constant 0 : i32
    return %c0_i32 : i32
  }
  func.func @transform_15(%arg0: i32) -> (i32, i32) {
    %c0_i32 = arith.constant 0 : i32
    %c0_i32_0 = arith.constant 0 : i32
    %c0_i32_1 = arith.constant 0 : i32
    return %c0_i32, %c0_i32_0 : i32, i32
  }
}

</mosaic_0001>

<sc_bundles>
// kernel: kernel.4.cloned.1.call-start
scs
__scs_entry_jumppad:
0x0: {  	(pc) =	sbr.rel $0x88, $3  }
0x1: {  	(tag) =	ssettag $0x0;
	lr =	simm.s32 $0x1  }
0x2: {  	[smem:$0x3F91] =	sst lr;
	_ =	strace $0xD0000000  }
0x3: {  	_ = 	snop  }
0x4: {  	_ = 	snop  }
0x5: {  	_ = 	snop  }
0x6: {  	_ = 	snop  }
0x7: {  	_ = 	snop  }
__scs_overlays_trampoline_lowered:
0x8: {  	[smem:$0x3FA0] =	sst s0  }
0x9: {  	[smem:$0x3FA1] =	sst s1  }
0xa: {  	[smem:$0x3FA2] =	sst s2  }
0xb: {  	[smem:$0x3FA3] =	sst s3  }
0xc: {  	[smem:$0x3FA4] =	sst s4  }
0xd: {  	[smem:$0x3FA5] =	sst s5  }
0xe: {  	[smem:$0x3FA6] =	sst s6  }
0xf: {  	[smem:$0x3FA7] =	sst s7  }
0x10: {  	[smem:$0x3FA8] =	sst s8  }
0x11: {  	[smem:$0x3FA9] =	sst s9;
	s0 =	simm.s32 @!p0 $0x0  }
0x12: {  	s1 =	sld [smem:$0x3F8F];
	s0 =	simm.s32 @p0 $0x1  }
0x13: {  	[smem:$0x3FAA] =	sst s0;
	s0 =	simm.s32 @!p1 $0x0  }
0x14: {  	s2 =	sld [smem:$0x3F8E];
	s0 =	simm.s32 @p1 $0x1  }
0x15: {  	[smem:$0x3FAB] =	sst s0;
	s0 =	simm.s32 @!p2 $0x0  }
0x16: {  	s3 =	sld [smem:$0x3FDB];
	s0 =	simm.s32 @p2 $0x1  }
0x17: {  	s4 =	simm.s32 $0x1BF5;
	[smem:$0x3FAD] =	sst s0  }
0x18: {  	s0 =	sld [smem:$0x3F90];
	_ =	swait.ge [sflag:s4], $0x0  }
0x19: {  	s7 =	sld [smem:$0x3F91]  }
0x1a: {  	s8 =	sadd.s32 $0xFFFFE003, lr  }
0x1b: {  	s9 =	sadd.s32 $0xFFFFFEF7, lr;
	s5 =	simm.s32 $0xFFFFFFFF;
	p2 =	slt.u32 s8, $0xFFFFF086  }
0x1c: {  	p1 =	slt.u32 s9, $0xF7A;
	s5 =	simm.s32 @!p2 $0x0  }
0x1d: {  	s5 =	simm.s32 @p1 $0x1;
	p0 =	seq.s32 s7, s2  }
0x1e: {  	s7 =	smul.u32 @!p0 $0xF7A, s2;
	p2 =	seq.s32 @!p0 s5, $0x0  }
0x1f: {  	s9 =	smul.u32 $0xF7A, s1;
	s8 =	simm.s32 @!p0 $0x1BF5;
	p2 =	por !p2, p0  }
0x20: {  	[sflag:s8] =	ssyncset.s32 @!p0 $0xFFFFF086;
	s6 =	sadd.s32 @!p0 s3, s7;
	s7 =	simm.s32 @!p0 $0x108  }
0x21: {  	s3 =	sadd.s32 s3, s9;
	s6 =	sadd.s32 @!p0 $0x88, s6;
	s7 =	simm.s32 @p2 $0x1082  }
0x22: {  	[simem:s7], [sflag:s8] =	dma.local @!p0 [hbm:s6], $0xF7A  }
0x23: {  	s9 =	sor.u32 $0xD0000000, s2;
	s6 =	simm.s32 $0x108;
	_ =	swait.ge @!p0 [sflag:s8], $0x0  }
0x24: {  	s3 =	sadd.s32 $0x88, s3;
	s6 =	simm.s32 @!p1 $0x1082;
	[sflag:s4] =	ssyncset.s32 $0xFFFFF086  }
0x25: {  	[simem:s6], [sflag:s4] =	dma.local [hbm:s3], $0xF7A  }
0x26: {  	[smem:$0x3F91] =	sst s1;
	(tag) =	ssettag s2;
	_ =	strace s9  }
0x27: {  	s1 =	sld [smem:$0x3FA1]  }
0x28: {  	s2 =	sld [smem:$0x3FA2]  }
0x29: {  	s4 =	sld [smem:$0x3FA4]  }
0x2a: {  	p0 =	seq.s32 s5, $0x0;
	s5 =	sld [smem:$0x3FA5]  }
0x2b: {  	s6 =	sld [smem:$0x3FA6]  }
0x2c: {  	s7 =	sld [smem:$0x3FA7]  }
0x2d: {  	s3 =	simm.s32 $0x108;
	s8 =	sld [smem:$0x3FA8]  }
0x2e: {  	s3 =	simm.s32 @!p0 $0x1082;
	s9 =	sld [smem:$0x3FA9]  }
0x2f: {  	lr =	sadd.s32 s0, s3;
	s0 =	sld [smem:$0x3FA0]  }
0x30: {  	s3 =	sld [smem:$0x3FA3]  }
0x31: {  	[smem:$0x3FAC] =	sst s10  }
0x32: {  	s10 =	sld [smem:$0x3FAA];
	_ =	sdelay $0x3  }
0x33: {  	p0 =	seq.s32 s10, $0x1;
	s10 =	sld [smem:$0x3FAC];
	_ =	sdelay $0x3  }
0x34: {  	[smem:$0x3FAC] =	sst s10  }
0x35: {  	s10 =	sld [smem:$0x3FAB];
	_ =	sdelay $0x3  }
0x36: {  	p1 =	seq.s32 s10, $0x1;
	s10 =	sld [smem:$0x3FAC];
	_ =	sdelay $0x3  }
0x37: {  	[smem:$0x3FAC] =	sst s10  }
0x38: {  	s10 =	sld [smem:$0x3FAD]  }
0x39: {  	_ = 	snop;
	(pc) =	sbr.ind lr, $3  }
0x3a: {  	_ = 	snop  }
0x3b: {  	_ = 	snop  }
0x3c: {  	p2 =	seq.s32 s10, $0x1;
	s10 =	sld [smem:$0x3FAC]  }
0x3d: {  	_ =	shalt  }
0x3e: {  	_ =	shalt  }
0x3f: {  	_ =	shalt  }
0x40: {  	_ =	shalt  }
0x41: {  	_ =	shalt  }
0x42: {  	_ =	shalt  }
0x43: {  	_ =	shalt  }
0x44: {  	_ =	shalt  }
0x45: {  	_ =	shalt  }
0x46: {  	_ =	shalt  }
0x47: {  	_ =	shalt  }
0x48: {  	_ =	shalt  }
0x49: {  	_ =	shalt  }
0x4a: {  	_ =	shalt  }
0x4b: {  	_ =	shalt  }
0x4c: {  	_ =	shalt  }
0x4d: {  	_ =	shalt  }
0x4e: {  	_ =	shalt  }
0x4f: {  	_ =	shalt  }
0x50: {  	_ =	shalt  }
0x51: {  	_ =	shalt  }
0x52: {  	_ =	shalt  }
0x53: {  	_ =	shalt  }
0x54: {  	_ =	shalt  }
0x55: {  	_ =	shalt  }
0x56: {  	_ =	shalt  }
0x57: {  	_ =	shalt  }
0x58: {  	_ =	shalt  }
0x59: {  	_ =	shalt  }
0x5a: {  	_ =	shalt  }
0x5b: {  	_ =	shalt  }
0x5c: {  	_ =	shalt  }
0x5d: {  	_ =	shalt  }
0x5e: {  	_ =	shalt  }
0x5f: {  	_ =	shalt  }
0x60: {  	_ =	shalt  }
0x61: {  	_ =	shalt  }
0x62: {  	_ =	shalt  }
0x63: {  	_ =	shalt  }
0x64: {  	_ =	shalt  }
0x65: {  	_ =	shalt  }
0x66: {  	_ =	shalt  }
0x67: {  	_ =	shalt  }
0x68: {  	_ =	shalt  }
0x69: {  	_ =	shalt  }
0x6a: {  	_ =	shalt  }
0x6b: {  	_ =	shalt  }
0x6c: {  	_ =	shalt  }
0x6d: {  	_ =	shalt  }
0x6e: {  	_ =	shalt  }
0x6f: {  	_ =	shalt  }
0x70: {  	_ =	shalt  }
0x71: {  	_ =	shalt  }
0x72: {  	_ =	shalt  }
0x73: {  	_ =	shalt  }
0x74: {  	_ =	shalt  }
0x75: {  	_ =	shalt  }
0x76: {  	_ =	shalt  }
0x77: {  	_ =	shalt  }
0x78: {  	_ =	shalt  }
0x79: {  	_ =	shalt  }
0x7a: {  	_ =	shalt  }
0x7b: {  	_ =	shalt  }
0x7c: {  	_ =	shalt  }
0x7d: {  	_ =	shalt  }
0x7e: {  	_ =	shalt  }
0x7f: {  	_ =	shalt  }
0x80: {  	_ =	shalt  }
0x81: {  	_ =	shalt  }
0x82: {  	_ =	shalt  }
0x83: {  	_ =	shalt  }
0x84: {  	_ =	shalt  }
0x85: {  	_ =	shalt  }
0x86: {  	_ =	shalt  }
0x87: {  	_ =	shalt  }
.Lfunc_end0:
.L_simem_size_0:
called_computation_lowered:
.L_overlay_start_0:
0x88: {  	s2 =	sld [smem:$0x3FD9]  }
0x89: {  	s3 =	sld [smem:$0x3FFE];
	_ =	sdelay $0x1  }
0x8a: {  	s1 =	srdreg.scid  }
0x8b: {  	s0 =	sand.u32 $0x1, s1  }
0x8c: {  	s17 =	sshll.u32 s0, $0xA;
	s2 =	sadd.s32 s3, s2  }
0x8d: {  	s2 =	sadd.s32 s2, s17  }
0x8e: {  	[smem:$0x3FB8] =	sst s2  }
0x8f: {  	_ = 	snop  }
0x90: {  	s2 =	sld [smem:$0x3FC8]  }
0x91: {  	s18 =	sld [smem:$0x3FC7]  }
0x92: {  	s4 =	sld [smem:$0x3FC6];
	(tm) =	ssettm $0x1  }
0x93: {  	s5 =	sld [smem:$0x3FFB];
	_ =	sdelay $0x3  }
0x94: {  	_ =	strace s5  }
0x95: {  	s5 =	sld [smem:$0x3FFC];
	_ =	sdelay $0x3  }
0x96: {  	_ =	strace s5  }
0x97: {  	s5 =	sld [smem:$0x3FFD];
	_ =	sdelay $0x3  }
0x98: {  	_ =	strace s5  }
0x99: {  	_ =	strace $0x8FFFFFFF  }
0x9a: {  	s19 =	sld [smem:$0x3FDB];
	_ =	sdelay $0x1  }
0x9b: {  	s6 =	simm.s32 $_scs_section_size  }
0x9c: {  	s7 =	simm.s32 $_size__tile_overlayer_lowered;
	s8 =	simm.s32 $_tile_overlayer_lowered  }
0x9d: {  	s22 =	simm.s32 $0x1BFF;
	s21 =	sshll.u32 s8, $0x1;
	s5 =	sadd.s32 s6, s19  }
0x9e: {  	s9 =	simm.s32 $0x0;
	s20 =	sshll.u32 s7, $0x1;
	s7 =	sadd.s32 s21, s5  }
0x9f: {  	[timem:s9], [sflag:s22] =	dma.local [hbm:s7], s20  }
0xa0: {  	_ =	swait.ge [sflag:s22], s20  }
0xa1: {  	s6 =	ssub.s32 $0x0, s20;
	[sflag:s22] =	ssyncset.done $0x0  }
0xa2: {  	[sflag:s22] =	ssyncadd.s32 s6;
	_ =	sdelay $0x1  }
0xa3: {  	s23 =	simm.s32 $0x1B8B  }
0xa4: {  	_ =	swait.ge [sflag:s23], $0x1  }
0xa5: {  	[sflag:s23] =	ssyncset.done $0x0  }
0xa6: {  	s25 =	simm.s32 $0x1B8E;
	s24 =	sld [smem:$0x3FFE];
	[sflag:s23] =	ssyncadd.s32 $0xFFFFFFFF  }
0xa7: {  	s26 =	simm.s32 $execute0_lowered;
	[smem:$0x3FD2] =	sst s25  }
0xa8: {  	s7 =	sshll.u32 s26, $0x1;
	_ =	strace $0x80000046;
	[dreg:$0x1] =	wrdreg $0xFFFFFFFF  }
0xa9: {  	s28 =	simm.s32 $_size_execute0_lowered;
	s5 =	sadd.s32 s5, s7;
	[dreg:$0x0] =	wrdreg $0x0  }
0xaa: {  	s7 =	sshll.u32 s28, $0x1;
	[dreg:$0x2] =	wrdreg s5  }
0xab: {  	[dreg:$0x3] =	wrdreg s7  }
0xac: {  	[dreg:$0x4] =	wrdreg $0xC0  }
0xad: {  	_ =	task [dreg:s9], $0x5FFFF  }
0xae: {  	[dreg:$0x1] =	wrdreg $0xFFFFFFFF  }
0xaf: {  	[dreg:$0x0] =	wrdreg $0x60  }
0xb0: {  	[dreg:$0x2] =	wrdreg s2  }
0xb1: {  	[dreg:$0x3] =	wrdreg s18  }
0xb2: {  	[dreg:$0x4] =	wrdreg s4  }
0xb3: {  	[dreg:$0x5] =	wrdreg s24  }
0xb4: {  	[dreg:$0x6] =	wrdreg $0x9  }
0xb5: {  	_ =	task.clear_ibuf [dreg:s9], $0x7FFFF;
	_ =	strace $0x90000046  }
0xb6: {  	s29 =	simm.s32 $0x9;
	_ =	strace $0x80000048  }
0xb7: {  	_ =	swait.ge [sflag:s29], $0x1  }
0xb8: {  	[sflag:s29] =	ssyncadd.s32 $0xFFFFFFFF  }
0xb9: {  	_ =	strace $0x90000048  }
0xba: {  	_ =	sfence  }
0xbb: {  	s30 =	sld [smem:$0x0];
	_ =	sdelay $0x2  }
0xbc: {  	s31 =	sshll.u32 s1, $0xD;
	s1 =	sshrl.u32 s1, $0x2  }
0xbd: {  	s3 =	sand.u32 $0x4000, s31;
	s1 =	sadd.s32 s1, s30  }
0xbe: {  	s0 =	sor.u32 s3, s0;
	s1 =	sshll.u32 s1, $0x11  }
0xbf: {  	s0 =	sor.u32 s1, s0  }
0xc0: {  	s0 =	sadd.s32 $0x8F2B, s0  }
0xc1: {  	[sflag:s0] =	ssyncadd.remote.s32 $0x1  }
0xc2: {  	_ =	sfence.sel $0xFFFF  }
0xc3: {  	[dreg:$0x0] =	wrdreg $0xFFFFFFFF;
	(pc) =	sbr.abs _section_cstart, $3  }
0xc4: {  	[dreg:$0x1] =	wrdreg $0xFFFFFFFF  }
0xc5: {  	_ =	task.clear_ibuf [dreg:s9], $0x2FFFF;
	_ =	strace $0x9FFFFFFF  }
0xc6: {  	(tm) =	ssettm $0x7FFFFFFF  }
0xc7: {  	_ =	shalt  }
tec
execute0_lowered:
.L_overlay_start_1:
0x0: {  	(tag) =	ssettag $0x1  }
0x1: {  	s5 =	rddreg [dreg:$0x0]  }
0x2: {  	s1 =	rddreg [dreg:$0x1]  }
0x3: {  	s2 =	rddreg [dreg:$0x2]  }
0x4: {  	s6 =	rddreg [dreg:$0x3]  }
0x5: {  	s0 =	rddreg [dreg:$0x4];
	s4 =	simm.s32 $0x0;
	s7 =	srdreg.scid  }
0x6: {  	s3 =	stileid.u32;
	s12 =	simm.s32 $0x1C00;
	s13 =	simm.s32 $0x1  }
0x7: {  	s14 =	simm.s32 $0x2;
	s15 =	simm.s32 $0x3;
	s16 =	simm.s32 $0x1800  }
0x8: {  	s17 =	simm.s32 $0x4;
	s18 =	simm.s32 $0x1C80;
	[smem:$0x7FF] =	sst s4  }
0x9: {  	s7 =	sand.u32 $0x1, s7;
	s9 =	sshll.u32 s3, $0x1;
	s10 =	sadd.s32 $0x1C00, s6  }
0xa: {  	_ =	strace $0x80000047;
	s8 =	ssub.s32 $0x2, s7;
	s7 =	sor.u32 s7, s9  }
0xb: {  	s29 =	sshrl.u32 s8, $0x1;
	s31 =	sshll.u32 s7, $0x7;
	s7 =	sshll.u32 s7, $0x4  }
0xc: {  	s30 =	ssub.s32 s8, s29;
	s5 =	sadd.s32 s5, s31;
	s6 =	sadd.s32 s1, s7  }
0xd: {  	s11 =	sadd.s32 s7, s10;
	s7 =	sadd.s32 s10, s31;
	s10 =	simm.s32 $0x1000  }
0xe: {  	s8 =	sadd.s32 $0x1000, s11;
	s9 =	smax.u32 s30, $0x1;
	s11 =	simm.s32 $0x1400  }
.LBB2_1:
0xf: {  	[tilespmem:s4], [sflag:$0x1] =	stream.linear.gather [hbm4b:s1+s4], $0x1000, $0x38;
	[tilespmem:$0x1D00] =	vst v63  }
0x10: {  	_ = 	snop  }
0x11: {  	[tilespmem:s10], [sflag:$0x2] =	stream.linear.gather [hbm4b:s2+s4], $0x400, $0x38;
	[tilespmem:$0x1D00] =	vst v63  }
0x12: {  	_ = 	snop  }
0x13: {  	[tilespmem:s11], [sflag:$0x3] =	stream.linear.gather [hbm4b:s5+s4], $0x400, $0x38;
	[tilespmem:$0x1D00] =	vst v63  }
0x14: {  	_ = 	snop  }
0x15: {  	[tilespmem:s12], [sflag:$0x4] =	stream.linear.gather [hbm4b:s6+s4], $0x80, $0x38;
	[tilespmem:$0x1D00] =	vst v63  }
0x16: {  	_ =	swait.ge [sflag:s13], $0x1000  }
0x17: {  	[sflag:s13] =	ssyncset.done $0x0  }
0x18: {  	[sflag:s13] =	ssyncadd.s32 $0xFFFFF000  }
0x19: {  	_ =	swait.ge [sflag:s14], $0x400  }
0x1a: {  	[sflag:s14] =	ssyncset.done $0x0  }
0x1b: {  	[sflag:s14] =	ssyncadd.s32 $0xFFFFFC00  }
0x1c: {  	_ =	swait.ge [sflag:s15], $0x400  }
0x1d: {  	[sflag:s15] =	ssyncset.done $0x0  }
0x1e: {  	[sflag:s15] =	ssyncadd.s32 $0xFFFFFC00  }
0x1f: {  	v0 =	vld [tilespmem:$0x1400];
	_ =	sdelay $0x7  }
0x20: {  	v0 =	vld.idx.msk [tilespmem:v0+s4+$0x0], $0xffff;
	_ =	sdelay $0x5  }
0x21: {  	v1 =	vld [tilespmem:$0x1410];
	_ =	sdelay $0x1  }
0x22: {  	v0 =	vld.idx.msk [tilespmem:v0+s10+$0x0], $0xffff;
	_ =	sdelay $0x4  }
0x23: {  	[tilespmem:$0x1800] =	vst v0  }
0x24: {  	v0 =	vld.idx.msk [tilespmem:v1+s4+$0x0], $0xffff;
	_ =	sdelay $0x5  }
0x25: {  	v55 =	vld [tilespmem:$0x1420];
	_ =	sdelay $0x1  }
0x26: {  	v0 =	vld.idx.msk [tilespmem:v0+s10+$0x0], $0xffff;
	_ =	sdelay $0x4  }
0x27: {  	[tilespmem:$0x1810] =	vst v0  }
0x28: {  	v0 =	vld.idx.msk [tilespmem:v55+s4+$0x0], $0xffff;
	_ =	sdelay $0x5  }
0x29: {  	v56 =	vld [tilespmem:$0x1430];
	_ =	sdelay $0x1  }
0x2a: {  	v0 =	vld.idx.msk [tilespmem:v0+s10+$0x0], $0xffff;
	_ =	sdelay $0x4  }
0x2b: {  	[tilespmem:$0x1820] =	vst v0  }
0x2c: {  	v0 =	vld.idx.msk [tilespmem:v56+s4+$0x0], $0xffff;
	_ =	sdelay $0x5  }
0x2d: {  	v57 =	vld [tilespmem:$0x1440];
	_ =	sdelay $0x1  }
0x2e: {  	v0 =	vld.idx.msk [tilespmem:v0+s10+$0x0], $0xffff;
	_ =	sdelay $0x4  }
0x2f: {  	[tilespmem:$0x1830] =	vst v0  }
0x30: {  	v0 =	vld.idx.msk [tilespmem:v57+s4+$0x0], $0xffff;
	_ =	sdelay $0x5  }
0x31: {  	v58 =	vld [tilespmem:$0x1450];
	_ =	sdelay $0x1  }
0x32: {  	v0 =	vld.idx.msk [tilespmem:v0+s10+$0x0], $0xffff;
	_ =	sdelay $0x4  }
0x33: {  	[tilespmem:$0x1840] =	vst v0  }
0x34: {  	v0 =	vld.idx.msk [tilespmem:v58+s4+$0x0], $0xffff;
	_ =	sdelay $0x5  }
0x35: {  	v59 =	vld [tilespmem:$0x1460];
	_ =	sdelay $0x1  }
0x36: {  	v0 =	vld.idx.msk [tilespmem:v0+s10+$0x0], $0xffff;
	_ =	sdelay $0x4  }
0x37: {  	[tilespmem:$0x1850] =	vst v0  }
0x38: {  	v0 =	vld.idx.msk [tilespmem:v59+s4+$0x0], $0xffff;
	_ =	sdelay $0x5  }
0x39: {  	v60 =	vld [tilespmem:$0x1470];
	_ =	sdelay $0x1  }
0x3a: {  	v0 =	vld.idx.msk [tilespmem:v0+s10+$0x0], $0xffff;
	_ =	sdelay $0x4  }
0x3b: {  	[tilespmem:$0x1860] =	vst v0  }
0x3c: {  	v0 =	vld.idx.msk [tilespmem:v60+s4+$0x0], $0xffff;
	_ =	sdelay $0x5  }
0x3d: {  	v61 =	vld [tilespmem:$0x1480];
	_ =	sdelay $0x1  }
0x3e: {  	v0 =	vld.idx.msk [tilespmem:v0+s10+$0x0], $0xffff;
	_ =	sdelay $0x4  }
0x3f: {  	[tilespmem:$0x1870] =	vst v0  }
0x40: {  	v0 =	vld.idx.msk [tilespmem:v61+s4+$0x0], $0xffff;
	_ =	sdelay $0x5  }
0x41: {  	v62 =	vld [tilespmem:$0x1490];
	_ =	sdelay $0x1  }
0x42: {  	v0 =	vld.idx.msk [tilespmem:v0+s10+$0x0], $0xffff;
	_ =	sdelay $0x4  }
0x43: {  	[tilespmem:$0x1880] =	vst v0  }
0x44: {  	v0 =	vld.idx.msk [tilespmem:v62+s4+$0x0], $0xffff;
	_ =	sdelay $0x5  }
0x45: {  	v63 =	vld [tilespmem:$0x14A0];
	_ =	sdelay $0x1  }
0x46: {  	v0 =	vld.idx.msk [tilespmem:v0+s10+$0x0], $0xffff;
	_ =	sdelay $0x4  }
0x47: {  	[tilespmem:$0x1890] =	vst v0  }
0x48: {  	v0 =	vld.idx.msk [tilespmem:v63+s4+$0x0], $0xffff;
	_ =	sdelay $0x5  }
0x49: {  	v4 =	vld [tilespmem:$0x14B0];
	_ =	sdelay $0x1  }
0x4a: {  	v0 =	vld.idx.msk [tilespmem:v0+s10+$0x0], $0xffff;
	_ =	sdelay $0x4  }
0x4b: {  	[tilespmem:$0x18A0] =	vst v0  }
0x4c: {  	v0 =	vld.idx.msk [tilespmem:v4+s4+$0x0], $0xffff;
	_ =	sdelay $0x5  }
0x4d: {  	v5 =	vld [tilespmem:$0x14C0];
	_ =	sdelay $0x1  }
0x4e: {  	v0 =	vld.idx.msk [tilespmem:v0+s10+$0x0], $0xffff;
	_ =	sdelay $0x4  }
0x4f: {  	[tilespmem:$0x18B0] =	vst v0  }
0x50: {  	v0 =	vld.idx.msk [tilespmem:v5+s4+$0x0], $0xffff;
	_ =	sdelay $0x5  }
0x51: {  	v6 =	vld [tilespmem:$0x14D0];
	_ =	sdelay $0x1  }
0x52: {  	v0 =	vld.idx.msk [tilespmem:v0+s10+$0x0], $0xffff;
	_ =	sdelay $0x4  }
0x53: {  	[tilespmem:$0x18C0] =	vst v0  }
0x54: {  	v0 =	vld.idx.msk [tilespmem:v6+s4+$0x0], $0xffff;
	_ =	sdelay $0x5  }
0x55: {  	v7 =	vld [tilespmem:$0x14E0];
	_ =	sdelay $0x1  }
0x56: {  	v0 =	vld.idx.msk [tilespmem:v0+s10+$0x0], $0xffff;
	_ =	sdelay $0x4  }
0x57: {  	[tilespmem:$0x18D0] =	vst v0  }
0x58: {  	v0 =	vld.idx.msk [tilespmem:v7+s4+$0x0], $0xffff;
	_ =	sdelay $0x5  }
0x59: {  	v8 =	vld [tilespmem:$0x14F0];
	_ =	sdelay $0x1  }
0x5a: {  	v0 =	vld.idx.msk [tilespmem:v0+s10+$0x0], $0xffff;
	_ =	sdelay $0x4  }
0x5b: {  	[tilespmem:$0x18E0] =	vst v0  }
0x5c: {  	v0 =	vld.idx.msk [tilespmem:v8+s4+$0x0], $0xffff;
	_ =	sdelay $0x5  }
0x5d: {  	v9 =	vld [tilespmem:$0x1500];
	_ =	sdelay $0x1  }
0x5e: {  	v0 =	vld.idx.msk [tilespmem:v0+s10+$0x0], $0xffff;
	_ =	sdelay $0x4  }
0x5f: {  	[tilespmem:$0x18F0] =	vst v0  }
0x60: {  	v0 =	vld.idx.msk [tilespmem:v9+s4+$0x0], $0xffff;
	_ =	sdelay $0x5  }
0x61: {  	v10 =	vld [tilespmem:$0x1510];
	_ =	sdelay $0x1  }
0x62: {  	v0 =	vld.idx.msk [tilespmem:v0+s10+$0x0], $0xffff;
	_ =	sdelay $0x4  }
0x63: {  	[tilespmem:$0x1900] =	vst v0  }
0x64: {  	v0 =	vld.idx.msk [tilespmem:v10+s4+$0x0], $0xffff;
	_ =	sdelay $0x5  }
0x65: {  	v11 =	vld [tilespmem:$0x1520];
	_ =	sdelay $0x1  }
0x66: {  	v0 =	vld.idx.msk [tilespmem:v0+s10+$0x0], $0xffff;
	_ =	sdelay $0x4  }
0x67: {  	[tilespmem:$0x1910] =	vst v0  }
0x68: {  	v0 =	vld.idx.msk [tilespmem:v11+s4+$0x0], $0xffff;
	_ =	sdelay $0x5  }
0x69: {  	v12 =	vld [tilespmem:$0x1530];
	_ =	sdelay $0x1  }
0x6a: {  	v0 =	vld.idx.msk [tilespmem:v0+s10+$0x0], $0xffff;
	_ =	sdelay $0x4  }
0x6b: {  	[tilespmem:$0x1920] =	vst v0  }
0x6c: {  	v0 =	vld.idx.msk [tilespmem:v12+s4+$0x0], $0xffff;
	_ =	sdelay $0x5  }
0x6d: {  	v13 =	vld [tilespmem:$0x1540];
	_ =	sdelay $0x1  }
0x6e: {  	v0 =	vld.idx.msk [tilespmem:v0+s10+$0x0], $0xffff;
	_ =	sdelay $0x4  }
0x6f: {  	[tilespmem:$0x1930] =	vst v0  }
0x70: {  	v0 =	vld.idx.msk [tilespmem:v13+s4+$0x0], $0xffff;
	_ =	sdelay $0x5  }
0x71: {  	v14 =	vld [tilespmem:$0x1550];
	_ =	sdelay $0x1  }
0x72: {  	v0 =	vld.idx.msk [tilespmem:v0+s10+$0x0], $0xffff;
	_ =	sdelay $0x4  }
0x73: {  	[tilespmem:$0x1940] =	vst v0  }
0x74: {  	v0 =	vld.idx.msk [tilespmem:v14+s4+$0x0], $0xffff;
	_ =	sdelay $0x5  }
0x75: {  	v15 =	vld [tilespmem:$0x1560];
	_ =	sdelay $0x1  }
0x76: {  	v0 =	vld.idx.msk [tilespmem:v0+s10+$0x0], $0xffff;
	_ =	sdelay $0x4  }
0x77: {  	[tilespmem:$0x1950] =	vst v0  }
0x78: {  	v0 =	vld.idx.msk [tilespmem:v15+s4+$0x0], $0xffff;
	_ =	sdelay $0x5  }
0x79: {  	v16 =	vld [tilespmem:$0x1570];
	_ =	sdelay $0x1  }
0x7a: {  	v0 =	vld.idx.msk [tilespmem:v0+s10+$0x0], $0xffff;
	_ =	sdelay $0x4  }
0x7b: {  	[tilespmem:$0x1960] =	vst v0  }
0x7c: {  	v0 =	vld.idx.msk [tilespmem:v16+s4+$0x0], $0xffff;
	_ =	sdelay $0x5  }
0x7d: {  	v17 =	vld [tilespmem:$0x1580];
	_ =	sdelay $0x1  }
0x7e: {  	v0 =	vld.idx.msk [tilespmem:v0+s10+$0x0], $0xffff;
	_ =	sdelay $0x4  }
0x7f: {  	[tilespmem:$0x1970] =	vst v0  }
0x80: {  	v0 =	vld.idx.msk [tilespmem:v17+s4+$0x0], $0xffff;
	_ =	sdelay $0x5  }
0x81: {  	v18 =	vld [tilespmem:$0x1590];
	_ =	sdelay $0x1  }
0x82: {  	v0 =	vld.idx.msk [tilespmem:v0+s10+$0x0], $0xffff;
	_ =	sdelay $0x4  }
0x83: {  	[tilespmem:$0x1980] =	vst v0  }
0x84: {  	v0 =	vld.idx.msk [tilespmem:v18+s4+$0x0], $0xffff;
	_ =	sdelay $0x5  }
0x85: {  	v19 =	vld [tilespmem:$0x15A0];
	_ =	sdelay $0x1  }
0x86: {  	v0 =	vld.idx.msk [tilespmem:v0+s10+$0x0], $0xffff;
	_ =	sdelay $0x4  }
0x87: {  	[tilespmem:$0x1990] =	vst v0  }
0x88: {  	v0 =	vld.idx.msk [tilespmem:v19+s4+$0x0], $0xffff;
	_ =	sdelay $0x5  }
0x89: {  	v20 =	vld [tilespmem:$0x15B0];
	_ =	sdelay $0x1  }
0x8a: {  	v0 =	vld.idx.msk [tilespmem:v0+s10+$0x0], $0xffff;
	_ =	sdelay $0x4  }
0x8b: {  	[tilespmem:$0x19A0] =	vst v0  }
0x8c: {  	v0 =	vld.idx.msk [tilespmem:v20+s4+$0x0], $0xffff;
	_ =	sdelay $0x5  }
0x8d: {  	v21 =	vld [tilespmem:$0x15C0];
	_ =	sdelay $0x1  }
0x8e: {  	v0 =	vld.idx.msk [tilespmem:v0+s10+$0x0], $0xffff;
	_ =	sdelay $0x4  }
0x8f: {  	[tilespmem:$0x19B0] =	vst v0  }
0x90: {  	v0 =	vld.idx.msk [tilespmem:v21+s4+$0x0], $0xffff;
	_ =	sdelay $0x5  }
0x91: {  	v22 =	vld [tilespmem:$0x15D0];
	_ =	sdelay $0x1  }
0x92: {  	v0 =	vld.idx.msk [tilespmem:v0+s10+$0x0], $0xffff;
	_ =	sdelay $0x4  }
0x93: {  	[tilespmem:$0x19C0] =	vst v0  }
0x94: {  	v0 =	vld.idx.msk [tilespmem:v22+s4+$0x0], $0xffff;
	_ =	sdelay $0x5  }
0x95: {  	v23 =	vld [tilespmem:$0x15E0];
	_ =	sdelay $0x1  }
0x96: {  	v0 =	vld.idx.msk [tilespmem:v0+s10+$0x0], $0xffff;
	_ =	sdelay $0x4  }
0x97: {  	[tilespmem:$0x19D0] =	vst v0  }
0x98: {  	v0 =	vld.idx.msk [tilespmem:v23+s4+$0x0], $0xffff;
	_ =	sdelay $0x5  }
0x99: {  	v24 =	vld [tilespmem:$0x15F0];
	_ =	sdelay $0x1  }
0x9a: {  	v0 =	vld.idx.msk [tilespmem:v0+s10+$0x0], $0xffff;
	_ =	sdelay $0x4  }
0x9b: {  	[tilespmem:$0x19E0] =	vst v0  }
0x9c: {  	v0 =	vld.idx.msk [tilespmem:v24+s4+$0x0], $0xffff;
	_ =	sdelay $0x5  }
0x9d: {  	v25 =	vld [tilespmem:$0x1600];
	_ =	sdelay $0x1  }
0x9e: {  	v0 =	vld.idx.msk [tilespmem:v0+s10+$0x0], $0xffff;
	_ =	sdelay $0x4  }
0x9f: {  	[tilespmem:$0x19F0] =	vst v0  }
0xa0: {  	v0 =	vld.idx.msk [tilespmem:v25+s4+$0x0], $0xffff;
	_ =	sdelay $0x5  }
0xa1: {  	v26 =	vld [tilespmem:$0x1610];
	_ =	sdelay $0x1  }
0xa2: {  	v0 =	vld.idx.msk [tilespmem:v0+s10+$0x0], $0xffff;
	_ =	sdelay $0x4  }
0xa3: {  	[tilespmem:$0x1A00] =	vst v0  }
0xa4: {  	v0 =	vld.idx.msk [tilespmem:v26+s4+$0x0], $0xffff;
	_ =	sdelay $0x5  }
0xa5: {  	v27 =	vld [tilespmem:$0x1620];
	_ =	sdelay $0x1  }
0xa6: {  	v0 =	vld.idx.msk [tilespmem:v0+s10+$0x0], $0xffff;
	_ =	sdelay $0x4  }
0xa7: {  	[tilespmem:$0x1A10] =	vst v0  }
0xa8: {  	v0 =	vld.idx.msk [tilespmem:v27+s4+$0x0], $0xffff;
	_ =	sdelay $0x5  }
0xa9: {  	v28 =	vld [tilespmem:$0x1630];
	_ =	sdelay $0x1  }
0xaa: {  	v0 =	vld.idx.msk [tilespmem:v0+s10+$0x0], $0xffff;
	_ =	sdelay $0x4  }
0xab: {  	[tilespmem:$0x1A20] =	vst v0  }
0xac: {  	v0 =	vld.idx.msk [tilespmem:v28+s4+$0x0], $0xffff;
	_ =	sdelay $0x5  }
0xad: {  	v29 =	vld [tilespmem:$0x1640];
	_ =	sdelay $0x1  }
0xae: {  	v0 =	vld.idx.msk [tilespmem:v0+s10+$0x0], $0xffff;
	_ =	sdelay $0x4  }
0xaf: {  	[tilespmem:$0x1A30] =	vst v0  }
0xb0: {  	v0 =	vld.idx.msk [tilespmem:v29+s4+$0x0], $0xffff;
	_ =	sdelay $0x5  }
0xb1: {  	v30 =	vld [tilespmem:$0x1650];
	_ =	sdelay $0x1  }
0xb2: {  	v0 =	vld.idx.msk [tilespmem:v0+s10+$0x0], $0xffff;
	_ =	sdelay $0x4  }
0xb3: {  	[tilespmem:$0x1A40] =	vst v0  }
0xb4: {  	v0 =	vld.idx.msk [tilespmem:v30+s4+$0x0], $0xffff;
	_ =	sdelay $0x5  }
0xb5: {  	v31 =	vld [tilespmem:$0x1660];
	_ =	sdelay $0x1  }
0xb6: {  	v0 =	vld.idx.msk [tilespmem:v0+s10+$0x0], $0xffff;
	_ =	sdelay $0x4  }
0xb7: {  	[tilespmem:$0x1A50] =	vst v0  }
0xb8: {  	v0 =	vld.idx.msk [tilespmem:v31+s4+$0x0], $0xffff;
	_ =	sdelay $0x5  }
0xb9: {  	v32 =	vld [tilespmem:$0x1670];
	_ =	sdelay $0x1  }
0xba: {  	v0 =	vld.idx.msk [tilespmem:v0+s10+$0x0], $0xffff;
	_ =	sdelay $0x4  }
0xbb: {  	[tilespmem:$0x1A60] =	vst v0  }
0xbc: {  	v0 =	vld.idx.msk [tilespmem:v32+s4+$0x0], $0xffff;
	_ =	sdelay $0x5  }
0xbd: {  	v33 =	vld [tilespmem:$0x1680];
	_ =	sdelay $0x1  }
0xbe: {  	v0 =	vld.idx.msk [tilespmem:v0+s10+$0x0], $0xffff;
	_ =	sdelay $0x4  }
0xbf: {  	[tilespmem:$0x1A70] =	vst v0  }
0xc0: {  	v0 =	vld.idx.msk [tilespmem:v33+s4+$0x0], $0xffff;
	_ =	sdelay $0x5  }
0xc1: {  	v34 =	vld [tilespmem:$0x1690];
	_ =	sdelay $0x1  }
0xc2: {  	v0 =	vld.idx.msk [tilespmem:v0+s10+$0x0], $0xffff;
	_ =	sdelay $0x4  }
0xc3: {  	[tilespmem:$0x1A80] =	vst v0  }
0xc4: {  	v0 =	vld.idx.msk [tilespmem:v34+s4+$0x0], $0xffff;
	_ =	sdelay $0x5  }
0xc5: {  	v35 =	vld [tilespmem:$0x16A0];
	_ =	sdelay $0x1  }
0xc6: {  	v0 =	vld.idx.msk [tilespmem:v0+s10+$0x0], $0xffff;
	_ =	sdelay $0x4  }
0xc7: {  	[tilespmem:$0x1A90] =	vst v0  }
0xc8: {  	v0 =	vld.idx.msk [tilespmem:v35+s4+$0x0], $0xffff;
	_ =	sdelay $0x5  }
0xc9: {  	v36 =	vld [tilespmem:$0x16B0];
	_ =	sdelay $0x1  }
0xca: {  	v0 =	vld.idx.msk [tilespmem:v0+s10+$0x0], $0xffff;
	_ =	sdelay $0x4  }
0xcb: {  	[tilespmem:$0x1AA0] =	vst v0  }
0xcc: {  	v0 =	vld.idx.msk [tilespmem:v36+s4+$0x0], $0xffff;
	_ =	sdelay $0x5  }
0xcd: {  	v37 =	vld [tilespmem:$0x16C0];
	_ =	sdelay $0x1  }
0xce: {  	v0 =	vld.idx.msk [tilespmem:v0+s10+$0x0], $0xffff;
	_ =	sdelay $0x4  }
0xcf: {  	[tilespmem:$0x1AB0] =	vst v0  }
0xd0: {  	v0 =	vld.idx.msk [tilespmem:v37+s4+$0x0], $0xffff;
	_ =	sdelay $0x5  }
0xd1: {  	v38 =	vld [tilespmem:$0x16D0];
	_ =	sdelay $0x1  }
0xd2: {  	v0 =	vld.idx.msk [tilespmem:v0+s10+$0x0], $0xffff;
	_ =	sdelay $0x4  }
0xd3: {  	[tilespmem:$0x1AC0] =	vst v0  }
0xd4: {  	v0 =	vld.idx.msk [tilespmem:v38+s4+$0x0], $0xffff;
	_ =	sdelay $0x5  }
0xd5: {  	v39 =	vld [tilespmem:$0x16E0];
	_ =	sdelay $0x1  }
0xd6: {  	v0 =	vld.idx.msk [tilespmem:v0+s10+$0x0], $0xffff;
	_ =	sdelay $0x4  }
0xd7: {  	[tilespmem:$0x1AD0] =	vst v0  }
0xd8: {  	v0 =	vld.idx.msk [tilespmem:v39+s4+$0x0], $0xffff;
	_ =	sdelay $0x5  }
0xd9: {  	v40 =	vld [tilespmem:$0x16F0];
	_ =	sdelay $0x1  }
0xda: {  	v0 =	vld.idx.msk [tilespmem:v0+s10+$0x0], $0xffff;
	_ =	sdelay $0x4  }
0xdb: {  	[tilespmem:$0x1AE0] =	vst v0  }
0xdc: {  	v0 =	vld.idx.msk [tilespmem:v40+s4+$0x0], $0xffff;
	_ =	sdelay $0x5  }
0xdd: {  	v41 =	vld [tilespmem:$0x1700];
	_ =	sdelay $0x1  }
0xde: {  	v0 =	vld.idx.msk [tilespmem:v0+s10+$0x0], $0xffff;
	_ =	sdelay $0x4  }
0xdf: {  	[tilespmem:$0x1AF0] =	vst v0  }
0xe0: {  	v0 =	vld.idx.msk [tilespmem:v41+s4+$0x0], $0xffff;
	_ =	sdelay $0x5  }
0xe1: {  	v42 =	vld [tilespmem:$0x1710];
	_ =	sdelay $0x1  }
0xe2: {  	v0 =	vld.idx.msk [tilespmem:v0+s10+$0x0], $0xffff;
	_ =	sdelay $0x4  }
0xe3: {  	[tilespmem:$0x1B00] =	vst v0  }
0xe4: {  	v0 =	vld.idx.msk [tilespmem:v42+s4+$0x0], $0xffff;
	_ =	sdelay $0x5  }
0xe5: {  	v43 =	vld [tilespmem:$0x1720];
	_ =	sdelay $0x1  }
0xe6: {  	v0 =	vld.idx.msk [tilespmem:v0+s10+$0x0], $0xffff;
	_ =	sdelay $0x4  }
0xe7: {  	[tilespmem:$0x1B10] =	vst v0  }
0xe8: {  	v0 =	vld.idx.msk [tilespmem:v43+s4+$0x0], $0xffff;
	_ =	sdelay $0x5  }
0xe9: {  	v44 =	vld [tilespmem:$0x1730];
	_ =	sdelay $0x1  }
0xea: {  	v0 =	vld.idx.msk [tilespmem:v0+s10+$0x0], $0xffff;
	_ =	sdelay $0x4  }
0xeb: {  	[tilespmem:$0x1B20] =	vst v0  }
0xec: {  	v0 =	vld.idx.msk [tilespmem:v44+s4+$0x0], $0xffff;
	_ =	sdelay $0x5  }
0xed: {  	v45 =	vld [tilespmem:$0x1740];
	_ =	sdelay $0x1  }
0xee: {  	v0 =	vld.idx.msk [tilespmem:v0+s10+$0x0], $0xffff;
	_ =	sdelay $0x4  }
0xef: {  	[tilespmem:$0x1B30] =	vst v0  }
0xf0: {  	v0 =	vld.idx.msk [tilespmem:v45+s4+$0x0], $0xffff;
	_ =	sdelay $0x5  }
0xf1: {  	v46 =	vld [tilespmem:$0x1750];
	_ =	sdelay $0x1  }
0xf2: {  	v0 =	vld.idx.msk [tilespmem:v0+s10+$0x0], $0xffff;
	_ =	sdelay $0x4  }
0xf3: {  	[tilespmem:$0x1B40] =	vst v0  }
0xf4: {  	v0 =	vld.idx.msk [tilespmem:v46+s4+$0x0], $0xffff;
	_ =	sdelay $0x5  }
0xf5: {  	v47 =	vld [tilespmem:$0x1760];
	_ =	sdelay $0x1  }
0xf6: {  	v0 =	vld.idx.msk [tilespmem:v0+s10+$0x0], $0xffff;
	_ =	sdelay $0x4  }
0xf7: {  	[tilespmem:$0x1B50] =	vst v0  }
0xf8: {  	v0 =	vld.idx.msk [tilespmem:v47+s4+$0x0], $0xffff;
	_ =	sdelay $0x5  }
0xf9: {  	v48 =	vld [tilespmem:$0x1770];
	_ =	sdelay $0x1  }
0xfa: {  	v0 =	vld.idx.msk [tilespmem:v0+s10+$0x0], $0xffff;
	_ =	sdelay $0x4  }
0xfb: {  	[tilespmem:$0x1B60] =	vst v0  }
0xfc: {  	v0 =	vld.idx.msk [tilespmem:v48+s4+$0x0], $0xffff;
	_ =	sdelay $0x5  }
0xfd: {  	v49 =	vld [tilespmem:$0x1780];
	_ =	sdelay $0x1  }
0xfe: {  	v0 =	vld.idx.msk [tilespmem:v0+s10+$0x0], $0xffff;
	_ =	sdelay $0x4  }
0xff: {  	[tilespmem:$0x1B70] =	vst v0  }
0x100: {  	v0 =	vld.idx.msk [tilespmem:v49+s4+$0x0], $0xffff;
	_ =	sdelay $0x5  }
0x101: {  	v50 =	vld [tilespmem:$0x1790];
	_ =	sdelay $0x1  }
0x102: {  	v0 =	vld.idx.msk [tilespmem:v0+s10+$0x0], $0xffff;
	_ =	sdelay $0x4  }
0x103: {  	[tilespmem:$0x1B80] =	vst v0  }
0x104: {  	v0 =	vld.idx.msk [tilespmem:v50+s4+$0x0], $0xffff;
	_ =	sdelay $0x5  }
0x105: {  	v51 =	vld [tilespmem:$0x17A0];
	_ =	sdelay $0x1  }
0x106: {  	v0 =	vld.idx.msk [tilespmem:v0+s10+$0x0], $0xffff;
	_ =	sdelay $0x4  }
0x107: {  	[tilespmem:$0x1B90] =	vst v0  }
0x108: {  	v0 =	vld.idx.msk [tilespmem:v51+s4+$0x0], $0xffff;
	_ =	sdelay $0x5  }
0x109: {  	v52 =	vld [tilespmem:$0x17B0];
	_ =	sdelay $0x1  }
0x10a: {  	v0 =	vld.idx.msk [tilespmem:v0+s10+$0x0], $0xffff;
	_ =	sdelay $0x4  }
0x10b: {  	[tilespmem:$0x1BA0] =	vst v0  }
0x10c: {  	v0 =	vld.idx.msk [tilespmem:v52+s4+$0x0], $0xffff;
	_ =	sdelay $0x5  }
0x10d: {  	v53 =	vld [tilespmem:$0x17C0];
	_ =	sdelay $0x1  }
0x10e: {  	v0 =	vld.idx.msk [tilespmem:v0+s10+$0x0], $0xffff;
	_ =	sdelay $0x4  }
0x10f: {  	[tilespmem:$0x1BB0] =	vst v0  }
0x110: {  	v0 =	vld.idx.msk [tilespmem:v53+s4+$0x0], $0xffff;
	_ =	sdelay $0x5  }
0x111: {  	v54 =	vld [tilespmem:$0x17D0];
	_ =	sdelay $0x1  }
0x112: {  	v0 =	vld.idx.msk [tilespmem:v0+s10+$0x0], $0xffff;
	_ =	sdelay $0x4  }
0x113: {  	[tilespmem:$0x1BC0] =	vst v0  }
0x114: {  	v0 =	vld.idx.msk [tilespmem:v54+s4+$0x0], $0xffff;
	_ =	sdelay $0x5  }
0x115: {  	v55 =	vld [tilespmem:$0x17E0];
	_ =	sdelay $0x1  }
0x116: {  	v0 =	vld.idx.msk [tilespmem:v0+s10+$0x0], $0xffff;
	_ =	sdelay $0x4  }
0x117: {  	[tilespmem:$0x1BD0] =	vst v0  }
0x118: {  	v0 =	vld.idx.msk [tilespmem:v55+s4+$0x0], $0xffff;
	_ =	sdelay $0x5  }
0x119: {  	v56 =	vld [tilespmem:$0x17F0];
	_ =	sdelay $0x1  }
0x11a: {  	v0 =	vld.idx.msk [tilespmem:v0+s10+$0x0], $0xffff;
	_ =	sdelay $0x4  }
0x11b: {  	[tilespmem:$0x1BE0] =	vst v0  }
0x11c: {  	v0 =	vld.idx.msk [tilespmem:v56+s4+$0x0], $0xffff;
	_ =	sdelay $0x7  }
0x11d: {  	v0 =	vld.idx.msk [tilespmem:v0+s10+$0x0], $0xffff;
	_ =	sdelay $0x4  }
0x11e: {  	[tilespmem:$0x1BF0] =	vst v0  }
0x11f: {  	[hbm4b:s7+s4] =	stream.linear.scatter [tilespmem:s16], [sflag:$0x3], $0x400, $0x38;
	[tilespmem:$0x1D00] =	vst v63  }
0x120: {  	_ =	swait.ge [sflag:s17], $0x80  }
0x121: {  	[sflag:s17] =	ssyncset.done $0x0  }
0x122: {  	[sflag:s17] =	ssyncadd.s32 $0xFFFFFF80  }
0x123: {  	v57 =	vld [tilespmem:$0x1C00];
	_ =	sdelay $0x5  }
0x124: {  	v58 =	vld [tilespmem:$0x1C10];
	_ =	sdelay $0x1  }
0x125: {  	v0 =	vld.idx.msk [tilespmem:v57+s10+$0x0], $0xffff;
	_ =	sdelay $0x3  }
0x126: {  	v2 =	vld [tilespmem:$0x1C20]  }
0x127: {  	[tilespmem:$0x1C80] =	vst v0  }
0x128: {  	v0 =	vld.idx.msk [tilespmem:v58+s10+$0x0], $0xffff;
	_ =	sdelay $0x3  }
0x129: {  	v59 =	vld [tilespmem:$0x1C30]  }
0x12a: {  	[tilespmem:$0x1C90] =	vst v0  }
0x12b: {  	v0 =	vld.idx.msk [tilespmem:v2+s10+$0x0], $0xffff;
	_ =	sdelay $0x3  }
0x12c: {  	v60 =	vld [tilespmem:$0x1C40]  }
0x12d: {  	[tilespmem:$0x1CA0] =	vst v0  }
0x12e: {  	v0 =	vld.idx.msk [tilespmem:v59+s10+$0x0], $0xffff;
	_ =	sdelay $0x3  }
0x12f: {  	v61 =	vld [tilespmem:$0x1C50]  }
0x130: {  	[tilespmem:$0x1CB0] =	vst v0  }
0x131: {  	v0 =	vld.idx.msk [tilespmem:v60+s10+$0x0], $0xffff;
	_ =	sdelay $0x3  }
0x132: {  	v62 =	vld [tilespmem:$0x1C60]  }
0x133: {  	[tilespmem:$0x1CC0] =	vst v0  }
0x134: {  	v0 =	vld.idx.msk [tilespmem:v61+s10+$0x0], $0xffff;
	_ =	sdelay $0x3  }
0x135: {  	v63 =	vld [tilespmem:$0x1C70]  }
0x136: {  	[tilespmem:$0x1CD0] =	vst v0  }
0x137: {  	v0 =	vld.idx.msk [tilespmem:v62+s10+$0x0], $0xffff;
	_ =	sdelay $0x4  }
0x138: {  	[tilespmem:$0x1CE0] =	vst v0  }
0x139: {  	v0 =	vld.idx.msk [tilespmem:v63+s10+$0x0], $0xffff;
	_ =	sdelay $0x4  }
0x13a: {  	[tilespmem:$0x1CF0] =	vst v0  }
0x13b: {  	[hbm4b:s8+s4] =	stream.linear.scatter [tilespmem:s18], [sflag:$0x4], $0x80, $0x38;
	[tilespmem:$0x1D00] =	vst v63  }
0x13c: {  	p0 =	sne.s32 s9, $0x1;
	_ =	swait.ge [sflag:s15], $0x400  }
.Ltmp0:
0x13d: {  	[sflag:s15] =	ssyncset.done $0x0;
	(pc) =	sbr.rel @p0 .LBB2_1-.Ltmp0, $4  }
0x13e: {  	[sflag:s15] =	ssyncadd.s32 $0xFFFFFC00  }
0x13f: {  	_ =	swait.ge [sflag:s17], $0x80  }
0x140: {  	[sflag:s17] =	ssyncset.done $0x0  }
0x141: {  	s9 =	sadd.s32 $0xFFFFFFFF, s9;
	[sflag:s17] =	ssyncadd.s32 $0xFFFFFF80  }
0x142: {  	_ =	sfence.sel $0x180000  }
0x143: {  	[bflag:$0x0] =	sbarrier.arrive $0xFFFF  }
0x144: {  	p0 =	sne.s32 s3, $0x0;
	_ =	strace $0x90000047  }
0x145: {  	s0 =	sadd.s32 @!p0 $0x100000, s0;
	[bflag:$0x2] =	sbarrier.arrive $0xFFFF  }
0x146: {  	[sflag:s0] =	ssyncadd.tile.s32 @!p0 $0x1;
	_ =	shalt  }
.Lfunc_end2:
_tile_overlayer_lowered:
.L_overlay_start_2:
0x147: {  	(tag) =	ssettag $0x2  }
0x148: {  	s0 =	rddreg [dreg:$0x0];
	s2 =	stileid.u32  }
0x149: {  	s1 =	rddreg [dreg:$0x1];
	p0 =	sne.s32 s2, $0x0  }
0x14a: {  	s3 =	rddreg [dreg:$0x2];
	[bflag:$0x3] =	sbarrier.arrive $0xFFFF;
	s2 =	simm.s32 @!p0 $0x1C05  }
0x14b: {  	[timem:s3], [sflag:s2] =	dma.local @!p0 [hbm:s0], s1  }
0x14c: {  	s0 =	simm.s32 @!p0 $0x5  }
0x14d: {  	_ =	swait.ge @!p0 [sflag:s0], s1  }
0x14e: {  	s1 =	ssub.s32 @!p0 $0x0, s1;
	[sflag:s0] =	ssyncset.done @!p0 $0x0  }
0x14f: {  	[sflag:s0] =	ssyncadd.s32 @!p0 s1  }
0x150: {  	[bflag:$0x3] =	sbarrier.arrive $0xFFFF  }
0x151: {  	_ =	shalt  }

</sc_bundles>
